<compile_context>
chip_gen: v7x
topology: tpu7x:2x2x1
jax: 0.10.2.dev20260603
libtpu: 0.0.44.dev20260713+nightly
codegen_flags: <defaults>
</compile_context>

<pallas_src>
import functools

import jax
import jax.numpy as jnp
from jax import lax
from jax.experimental import pallas as pl
from jax.experimental.pallas import tpu as pltpu
from jax.experimental.pallas import tpu_sc as plsc

NUM_BEAMS = 8
VOCAB = 51289
CUR_LEN = 32
NW = 32
CHUNK = 12832
VPAD = 4 * CHUNK
NVREG = CHUNK // 16
PRE = 3200
K = 8
NCH = 2
CAND = NCH * K * 16
NEG = -1e30
BIGI = 2**30


def _sc_body(x_hbm, cand_v_hbm, cand_i_hbm, xbuf, vvmem, ivmem, sem1, sem2):
    wid = lax.axis_index("s") * 2 + lax.axis_index("c")
    start = pl.multiple_of(wid * CHUNK, 8)
    c1 = pltpu.make_async_copy(x_hbm.at[pl.ds(start, PRE)],
                               xbuf.at[pl.ds(0, PRE)], sem1)
    c2 = pltpu.make_async_copy(x_hbm.at[pl.ds(start + PRE, CHUNK - PRE)],
                               xbuf.at[pl.ds(PRE, CHUNK - PRE)], sem2)
    c1.start()
    c2.start()
    iota = lax.iota(jnp.int32, 16)
    negv = jnp.full((16,), NEG, jnp.float32)
    bigv = jnp.full((16,), BIGI, jnp.int32)

    def ladder(v, iv, regs):
        out = []
        for j in range(K):
            r, ridx = regs[j], regs[K + j]
            take = v > r
            out.append((jnp.where(take, v, r), jnp.where(take, iv, ridx)))
            v = jnp.where(take, r, v)
            iv = jnp.where(take, ridx, iv)
        return tuple(o[0] for o in out) + tuple(o[1] for o in out)

    def insert(i, carry):
        out = ()
        for t in range(NCH):
            off = i * (NCH * 16) + t * 16
            out = out + ladder(xbuf[pl.ds(off, 16)], iota + off,
                               carry[2 * K * t:2 * K * (t + 1)])
        return out

    init = ((negv,) * K + (bigv,) * K) * NCH
    c1.wait()
    carry = lax.fori_loop(0, PRE // (NCH * 16), insert, init)
    c2.wait()
    carry = lax.fori_loop(PRE // (NCH * 16), NVREG // NCH, insert, carry)
    carry = tuple(carry)
    for t in range((NVREG // NCH) * NCH, NVREG):
        carry = ladder(xbuf[pl.ds(t * 16, 16)], iota + t * 16,
                       carry[:2 * K]) + carry[2 * K:]
    for t in range(NCH):
        for j in range(K):
            vvmem[pl.ds((t * K + j) * 16, 16)] = carry[2 * K * t + j]
            ivmem[pl.ds((t * K + j) * 16, 16)] = carry[2 * K * t + K + j]
    pltpu.sync_copy(vvmem, cand_v_hbm.at[wid])
    pltpu.sync_copy(ivmem, cand_i_hbm.at[wid])


@functools.lru_cache(maxsize=1)
def _sc_scan():
    return pl.kernel(
        _sc_body,
        out_type=[
            jax.ShapeDtypeStruct((NW, CAND), jnp.float32),
            jax.ShapeDtypeStruct((NW, CAND), jnp.int32),
        ],
        mesh=plsc.VectorSubcoreMesh(core_axis_name="c", subcore_axis_name="s"),
        scratch_types=[
            pltpu.VMEM((CHUNK,), jnp.float32),
            pltpu.VMEM((CAND,), jnp.float32),
            pltpu.VMEM((CAND,), jnp.int32),
            pltpu.SemaphoreType.DMA,
            pltpu.SemaphoreType.DMA,
        ],
    )


def _tc_lse(x_ref, lse_ref):
    io = lax.broadcasted_iota(jnp.int32, (1, NUM_BEAMS), 1)
    out = jnp.zeros((1, NUM_BEAMS), jnp.float32)
    for b in range(NUM_BEAMS):
        x = x_ref[pl.ds(b * VPAD, VPAD)]
        mb = jnp.max(x)
        out = jnp.where(io == b, jnp.log(jnp.sum(jnp.exp(x - mb))) + mb, out)
    lse_ref[...] = out


def _tc_merge(cv_ref, ci_ref, lse_ref, bs_ref, dec_ref,
              dec_out_ref, sc_ref, tok_ref, bidx_ref):
    oro = lax.broadcasted_iota(jnp.int32, (NUM_BEAMS, 1), 0)
    lse = jnp.zeros((NUM_BEAMS, 1), jnp.float32)
    for b in range(NUM_BEAMS):
        lse = jnp.where(oro == b, lse_ref[0, b], lse)
    cv = cv_ref[:, :]
    ci = ci_ref[:, :]
    col = lax.broadcasted_iota(jnp.int32, (NUM_BEAMS, 4 * CAND), 1)
    row = lax.broadcasted_iota(jnp.int32, (NUM_BEAMS, 4 * CAND), 0)
    tok = ci + (col // CAND) * CHUNK
    flat = row * VOCAB + tok
    adj = jnp.where(tok < VOCAB, cv - lse + bs_ref[:, :], NEG)

    io8 = lax.broadcasted_iota(jnp.int32, (1, K), 1)
    sc = jnp.zeros((1, K), jnp.float32)
    fl = jnp.zeros((1, K), jnp.int32)
    flats = []
    work = adj
    for j in range(K):
        vmax = jnp.max(work)
        fmin = jnp.min(jnp.where(work == vmax, flat, BIGI))
        work = jnp.where(flat == fmin, NEG, work)
        sc = jnp.where(io8 == j, vmax, sc)
        fl = jnp.where(io8 == j, fmin, fl)
        flats.append(fmin)

    sc_ref[:, :] = sc
    tok_ref[:, :] = fl % VOCAB
    bidx_ref[:, :] = fl // VOCAB

    orow = lax.broadcasted_iota(jnp.int32, (NUM_BEAMS, 1), 0)
    bi_rows = jnp.zeros((NUM_BEAMS, 1), jnp.int32)
    tk_rows = jnp.zeros((NUM_BEAMS, 1), jnp.int32)
    for j in range(K):
        bi_rows = jnp.where(orow == j, flats[j] // VOCAB, bi_rows)
        tk_rows = jnp.where(orow == j, flats[j] % VOCAB, tk_rows)
    reord = jnp.zeros(dec_ref.shape, jnp.int32)
    for k in range(NUM_BEAMS):
        reord = jnp.where(bi_rows == k, dec_ref[k:k + 1, :], reord)
    dec_out_ref[:, 0:CUR_LEN] = reord
    dec_out_ref[:, CUR_LEN:CUR_LEN + 1] = tk_rows


def kernel(lm_logits, beam_scores, decoder_inputs):
    xpad = jnp.pad(lm_logits[:, -1, :], ((0, 0), (0, VPAD - VOCAB)),
                   constant_values=NEG)
    xflat = jnp.reshape(xpad, (-1,))
    cand_v, cand_i = _sc_scan()(xflat)

    lse = pl.pallas_call(
        _tc_lse,
        out_shape=jax.ShapeDtypeStruct((1, NUM_BEAMS), jnp.float32),
    )(xflat)

    cv = jnp.reshape(cand_v, (NUM_BEAMS, 4 * CAND))
    ci = jnp.reshape(cand_i, (NUM_BEAMS, 4 * CAND))
    bs = jnp.reshape(beam_scores, (NUM_BEAMS, 1))

    new_dec, sc, tok, bidx = pl.pallas_call(
        _tc_merge,
        out_shape=[
            jax.ShapeDtypeStruct((NUM_BEAMS, CUR_LEN + 1), jnp.int32),
            jax.ShapeDtypeStruct((1, K), jnp.float32),
            jax.ShapeDtypeStruct((1, K), jnp.int32),
            jax.ShapeDtypeStruct((1, K), jnp.int32),
        ],
    )(cv, ci, lse, bs, decoder_inputs)

    return (new_dec, jnp.reshape(sc, (NUM_BEAMS,)),
            jnp.reshape(tok, (NUM_BEAMS,)), jnp.reshape(bidx, (NUM_BEAMS,)))

# --- scband reference (transcript-rebuilt; emitter-appended) ---
"""Pipeline reference for scband-florence2-wrapper-18983755448782 (READ-ONLY COPY).

The authoritative reference and input builder live on the scoring server;
editing this copy changes nothing except your own understanding.
"""

import jax, jax.numpy as jnp
import numpy as np

NUM_BEAMS = 8
VOCAB = 51289
CUR_LEN = 32
BATCH = 1


def setup_inputs(seed: int = 0) -> dict:
    key = jax.random.key(seed)
    k1, k2 = jax.random.split(key, 2)
    lm_logits = jax.random.normal(k1, (NUM_BEAMS, CUR_LEN, VOCAB), dtype=jnp.float32)
    beam_scores = jnp.zeros((NUM_BEAMS,), dtype=jnp.float32)
    decoder_inputs = jax.random.randint(k2, (NUM_BEAMS, CUR_LEN), 0, VOCAB, dtype=jnp.int32)
    return {"lm_logits": lm_logits, "beam_scores": beam_scores, "decoder_inputs": decoder_inputs}


def reference(lm_logits, beam_scores, decoder_inputs):
    # One beam-search scoring step (the sampling core of florence2Wrapper.forward):
    # next_token_logits = lm_logits[:, -1, :].clone()
    next_token_logits = lm_logits[:, -1, :]
    # log_softmax over vocab
    next_token_scores = jax.nn.log_softmax(next_token_logits, axis=-1)
    # add running beam scores (broadcast over vocab)
    next_token_scores = next_token_scores + beam_scores[:, None]
    vocab_size = next_token_scores.shape[-1]
    # view (batch, num_beams * vocab)
    flat_scores = next_token_scores.reshape(BATCH, NUM_BEAMS * vocab_size)
    # n_tokens_to_keep = max(2, 1 + n_eos) * num_beams == 2 * num_beams
    n_tokens_to_keep = 2 * NUM_BEAMS
    topk_scores, topk_idx = jax.lax.top_k(flat_scores, n_tokens_to_keep)
    next_indices = topk_idx // vocab_size
    next_tokens = topk_idx % vocab_size
    # Beam scorer process (greedy variant without EOS bookkeeping): keep top num_beams
    new_beam_scores = topk_scores[:, :NUM_BEAMS].reshape(NUM_BEAMS)
    beam_idx = next_indices[:, :NUM_BEAMS].reshape(NUM_BEAMS)
    beam_next_tokens = next_tokens[:, :NUM_BEAMS].reshape(NUM_BEAMS)
    # decoder_inputs = cat([decoder_inputs[beam_idx, :], beam_next_tokens[:, None]], -1)
    reordered = jnp.take(decoder_inputs, beam_idx, axis=0)
    new_decoder_inputs = jnp.concatenate([reordered, beam_next_tokens[:, None].astype(decoder_inputs.dtype)], axis=-1)
    return new_decoder_inputs, new_beam_scores, beam_next_tokens, beam_idx

if __name__ == "__main__":
    import jax
    _d = setup_inputs()
    print(jax.jit(kernel)(*tuple(_d.values())))

</pallas_src>

<mosaic_0001>
#map = affine_map<(d0, d1) -> (0)>
#map1 = affine_map<(d0, d1) -> (0, 0)>
module attributes {stable_mosaic.version = 14 : i64} {
  func.func @_sc_body(%arg0: i32, %arg1: i32, %arg2: memref<410624xf32, #tpu.memory_space<hbm>>, %arg3: memref<32x256xf32, #tpu.memory_space<hbm>>, %arg4: memref<32x256xi32, #tpu.memory_space<hbm>>, %arg5: memref<12832xf32, #tpu.memory_space<vmem>>, %arg6: memref<256xf32, #tpu.memory_space<vmem>>, %arg7: memref<256xi32, #tpu.memory_space<vmem>>, %arg8: memref<!tpu.dma_semaphore, #tpu.memory_space<semaphore_mem>>, %arg9: memref<!tpu.dma_semaphore, #tpu.memory_space<semaphore_mem>>) attributes {dimension_semantics = [#tpu.dimension_semantics<core_parallel>, #tpu.dimension_semantics<subcore_parallel>], iteration_bounds = array<i64: 2, 16>, scalar_prefetch = 0 : i64, scratch_operands = 5 : i64, tpu.core_type = #tpu.core_type<sc_vector_subcore>, window_params = [{transform_indices = #map}, {transform_indices = #map1}, {transform_indices = #map1}]} {
    %mul3A = arith.constant 2 : i32
    %mul3A_0 = arith.muli %arg1, %mul3A : i32
    %add3A = arith.addi %mul3A_0, %arg0 : i32
    %mul3A_1 = arith.constant 12832 : i32
    %mul3A_2 = arith.muli %add3A, %mul3A_1 : i32
    %multiple_of3A = tpu.assume_multiple %mul3A_2, 8 : i32
    %add3A_3 = arith.constant 3200 : i32
    %add3A_4 = arith.addi %multiple_of3A, %add3A_3 : i32
    %dma_start3A = arith.constant 0 : i32
    %dma_start3A_5 = tpu.memref_slice %arg5[%dma_start3A] : memref<12832xf32, #tpu.memory_space<vmem>> -> memref<3200xf32, #tpu.memory_space<vmem>>
    %dma_start3A_6 = tpu.memref_slice %arg2[%multiple_of3A] : memref<410624xf32, #tpu.memory_space<hbm>> -> memref<3200xf32, #tpu.memory_space<hbm>>
    %dma_start3A_7 = arith.constant 0 : i32
    %dma_start3A_8 = tpu.memref_slice %arg5[%dma_start3A_7] : memref<12832xf32, #tpu.memory_space<vmem>> -> memref<3200xf32, #tpu.memory_space<vmem>>
    %dma_start3A_9 = tpu.memref_slice %arg2[%multiple_of3A] : memref<410624xf32, #tpu.memory_space<hbm>> -> memref<3200xf32, #tpu.memory_space<hbm>>
    tpu.enqueue_dma source(%dma_start3A_9 : memref<3200xf32, #tpu.memory_space<hbm>>) target(%dma_start3A_8 : memref<3200xf32, #tpu.memory_space<vmem>>) target_semaphore(%arg8 : memref<!tpu.dma_semaphore, #tpu.memory_space<semaphore_mem>>)
    %dma_start3A_10 = arith.constant 3200 : i32
    %dma_start3A_11 = tpu.memref_slice %arg5[%dma_start3A_10] : memref<12832xf32, #tpu.memory_space<vmem>> -> memref<9632xf32, #tpu.memory_space<vmem>>
    %dma_start3A_12 = tpu.memref_slice %arg2[%add3A_4] : memref<410624xf32, #tpu.memory_space<hbm>> -> memref<9632xf32, #tpu.memory_space<hbm>>
    %dma_start3A_13 = arith.constant 3200 : i32
    %dma_start3A_14 = tpu.memref_slice %arg5[%dma_start3A_13] : memref<12832xf32, #tpu.memory_space<vmem>> -> memref<9632xf32, #tpu.memory_space<vmem>>
    %dma_start3A_15 = tpu.memref_slice %arg2[%add3A_4] : memref<410624xf32, #tpu.memory_space<hbm>> -> memref<9632xf32, #tpu.memory_space<hbm>>
    tpu.enqueue_dma source(%dma_start3A_15 : memref<9632xf32, #tpu.memory_space<hbm>>) target(%dma_start3A_14 : memref<9632xf32, #tpu.memory_space<vmem>>) target_semaphore(%arg9 : memref<!tpu.dma_semaphore, #tpu.memory_space<semaphore_mem>>)
    %iota3A = tpu.iota {dimensions = array<i32: 0>} : vector<16xi32>
    %broadcast_in_dim3A = arith.constant -1.000000e+30 : f32
    %broadcast_in_dim3A_16 = vector.broadcast %broadcast_in_dim3A : f32 to vector<16xf32>
    %broadcast_in_dim3A_17 = arith.constant 1073741824 : i32
    %broadcast_in_dim3A_18 = vector.broadcast %broadcast_in_dim3A_17 : i32 to vector<16xi32>
    %dma_wait3A = arith.constant 0 : i32
    %dma_wait3A_19 = tpu.memref_slice %arg5[%dma_wait3A] : memref<12832xf32, #tpu.memory_space<vmem>> -> memref<3200xf32, #tpu.memory_space<vmem>>
    %dma_wait3A_20 = tpu.memref_slice %arg2[%multiple_of3A] : memref<410624xf32, #tpu.memory_space<hbm>> -> memref<3200xf32, #tpu.memory_space<hbm>>
    %dma_wait3A_21 = arith.constant 0 : i32
    %dma_wait3A_22 = tpu.memref_slice %arg5[%dma_wait3A_21] : memref<12832xf32, #tpu.memory_space<vmem>> -> memref<3200xf32, #tpu.memory_space<vmem>>
    %dma_wait3A_23 = tpu.memref_slice %arg2[%multiple_of3A] : memref<410624xf32, #tpu.memory_space<hbm>> -> memref<3200xf32, #tpu.memory_space<hbm>>
    tpu.wait_dma2 semaphore(%arg8 : memref<!tpu.dma_semaphore, #tpu.memory_space<semaphore_mem>>) src(%dma_wait3A_23 : memref<3200xf32, #tpu.memory_space<hbm>>) dst(%dma_wait3A_22 : memref<3200xf32, #tpu.memory_space<vmem>>)
    %scan3A = arith.constant 0 : i32
    %scan3A_24 = arith.constant 100 : i32
    %scan3A_25 = arith.addi %scan3A, %scan3A_24 : i32
    %scan3A_26 = arith.constant 1 : i32
    %scan3A_27:32 = scf.for %scan3A_168 = %scan3A to %scan3A_25 step %scan3A_26 iter_args(%scan3A_169 = %broadcast_in_dim3A_16, %scan3A_170 = %broadcast_in_dim3A_16, %scan3A_171 = %broadcast_in_dim3A_16, %scan3A_172 = %broadcast_in_dim3A_16, %scan3A_173 = %broadcast_in_dim3A_16, %scan3A_174 = %broadcast_in_dim3A_16, %scan3A_175 = %broadcast_in_dim3A_16, %scan3A_176 = %broadcast_in_dim3A_16, %scan3A_177 = %broadcast_in_dim3A_18, %scan3A_178 = %broadcast_in_dim3A_18, %scan3A_179 = %broadcast_in_dim3A_18, %scan3A_180 = %broadcast_in_dim3A_18, %scan3A_181 = %broadcast_in_dim3A_18, %scan3A_182 = %broadcast_in_dim3A_18, %scan3A_183 = %broadcast_in_dim3A_18, %scan3A_184 = %broadcast_in_dim3A_18, %scan3A_185 = %broadcast_in_dim3A_16, %scan3A_186 = %broadcast_in_dim3A_16, %scan3A_187 = %broadcast_in_dim3A_16, %scan3A_188 = %broadcast_in_dim3A_16, %scan3A_189 = %broadcast_in_dim3A_16, %scan3A_190 = %broadcast_in_dim3A_16, %scan3A_191 = %broadcast_in_dim3A_16, %scan3A_192 = %broadcast_in_dim3A_16, %scan3A_193 = %broadcast_in_dim3A_18, %scan3A_194 = %broadcast_in_dim3A_18, %scan3A_195 = %broadcast_in_dim3A_18, %scan3A_196 = %broadcast_in_dim3A_18, %scan3A_197 = %broadcast_in_dim3A_18, %scan3A_198 = %broadcast_in_dim3A_18, %scan3A_199 = %broadcast_in_dim3A_18, %scan3A_200 = %broadcast_in_dim3A_18) -> (vector<16xf32>, vector<16xf32>, vector<16xf32>, vector<16xf32>, vector<16xf32>, vector<16xf32>, vector<16xf32>, vector<16xf32>, vector<16xi32>, vector<16xi32>, vector<16xi32>, vector<16xi32>, vector<16xi32>, vector<16xi32>, vector<16xi32>, vector<16xi32>, vector<16xf32>, vector<16xf32>, vector<16xf32>, vector<16xf32>, vector<16xf32>, vector<16xf32>, vector<16xf32>, vector<16xf32>, vector<16xi32>, vector<16xi32>, vector<16xi32>, vector<16xi32>, vector<16xi32>, vector<16xi32>, vector<16xi32>, vector<16xi32>)  : i32 {
      %mul3A_201 = arith.constant 32 : i32
      %mul3A_202 = arith.muli %scan3A_168, %mul3A_201 : i32
      %add3A_203 = arith.constant 0 : i32
      %add3A_204 = arith.addi %mul3A_202, %add3A_203 : i32
      %get3A = arith.index_cast %add3A_204 : i32 to index
      %get3A_205 = tpu.vector_load %arg5[%get3A] {strides = array<i32>} : memref<12832xf32, #tpu.memory_space<vmem>>, vector<16xf32>,
      %get3A_206 = vector.shape_cast %get3A_205 : vector<16xf32> to vector<16xf32>
      %add3A_207 = vector.broadcast %add3A_204 : i32 to vector<16xi32>
      %add3A_208 = arith.addi %iota3A, %add3A_207 : vector<16xi32>
      %gt3A = arith.cmpf ogt, %get3A_206, %scan3A_169 : vector<16xf32>
      %select_n3A = arith.select %gt3A, %get3A_206, %scan3A_169 : vector<16xi1>, vector<16xf32>
      %select_n3A_209 = arith.select %gt3A, %add3A_208, %scan3A_177 : vector<16xi1>, vector<16xi32>
      %select_n3A_210 = arith.select %gt3A, %scan3A_169, %get3A_206 : vector<16xi1>, vector<16xf32>
      %select_n3A_211 = arith.select %gt3A, %scan3A_177, %add3A_208 : vector<16xi1>, vector<16xi32>
      %gt3A_212 = arith.cmpf ogt, %select_n3A_210, %scan3A_170 : vector<16xf32>
      %select_n3A_213 = arith.select %gt3A_212, %select_n3A_210, %scan3A_170 : vector<16xi1>, vector<16xf32>
      %select_n3A_214 = arith.select %gt3A_212, %select_n3A_211, %scan3A_178 : vector<16xi1>, vector<16xi32>
      %select_n3A_215 = arith.select %gt3A_212, %scan3A_170, %select_n3A_210 : vector<16xi1>, vector<16xf32>
      %select_n3A_216 = arith.select %gt3A_212, %scan3A_178, %select_n3A_211 : vector<16xi1>, vector<16xi32>
      %gt3A_217 = arith.cmpf ogt, %select_n3A_215, %scan3A_171 : vector<16xf32>
      %select_n3A_218 = arith.select %gt3A_217, %select_n3A_215, %scan3A_171 : vector<16xi1>, vector<16xf32>
      %select_n3A_219 = arith.select %gt3A_217, %select_n3A_216, %scan3A_179 : vector<16xi1>, vector<16xi32>
      %select_n3A_220 = arith.select %gt3A_217, %scan3A_171, %select_n3A_215 : vector<16xi1>, vector<16xf32>
      %select_n3A_221 = arith.select %gt3A_217, %scan3A_179, %select_n3A_216 : vector<16xi1>, vector<16xi32>
      %gt3A_222 = arith.cmpf ogt, %select_n3A_220, %scan3A_172 : vector<16xf32>
      %select_n3A_223 = arith.select %gt3A_222, %select_n3A_220, %scan3A_172 : vector<16xi1>, vector<16xf32>
      %select_n3A_224 = arith.select %gt3A_222, %select_n3A_221, %scan3A_180 : vector<16xi1>, vector<16xi32>
      %select_n3A_225 = arith.select %gt3A_222, %scan3A_172, %select_n3A_220 : vector<16xi1>, vector<16xf32>
      %select_n3A_226 = arith.select %gt3A_222, %scan3A_180, %select_n3A_221 : vector<16xi1>, vector<16xi32>
      %gt3A_227 = arith.cmpf ogt, %select_n3A_225, %scan3A_173 : vector<16xf32>
      %select_n3A_228 = arith.select %gt3A_227, %select_n3A_225, %scan3A_173 : vector<16xi1>, vector<16xf32>
      %select_n3A_229 = arith.select %gt3A_227, %select_n3A_226, %scan3A_181 : vector<16xi1>, vector<16xi32>
      %select_n3A_230 = arith.select %gt3A_227, %scan3A_173, %select_n3A_225 : vector<16xi1>, vector<16xf32>
      %select_n3A_231 = arith.select %gt3A_227, %scan3A_181, %select_n3A_226 : vector<16xi1>, vector<16xi32>
      %gt3A_232 = arith.cmpf ogt, %select_n3A_230, %scan3A_174 : vector<16xf32>
      %select_n3A_233 = arith.select %gt3A_232, %select_n3A_230, %scan3A_174 : vector<16xi1>, vector<16xf32>
      %select_n3A_234 = arith.select %gt3A_232, %select_n3A_231, %scan3A_182 : vector<16xi1>, vector<16xi32>
      %select_n3A_235 = arith.select %gt3A_232, %scan3A_174, %select_n3A_230 : vector<16xi1>, vector<16xf32>
      %select_n3A_236 = arith.select %gt3A_232, %scan3A_182, %select_n3A_231 : vector<16xi1>, vector<16xi32>
      %gt3A_237 = arith.cmpf ogt, %select_n3A_235, %scan3A_175 : vector<16xf32>
      %select_n3A_238 = arith.select %gt3A_237, %select_n3A_235, %scan3A_175 : vector<16xi1>, vector<16xf32>
      %select_n3A_239 = arith.select %gt3A_237, %select_n3A_236, %scan3A_183 : vector<16xi1>, vector<16xi32>
      %select_n3A_240 = arith.select %gt3A_237, %scan3A_175, %select_n3A_235 : vector<16xi1>, vector<16xf32>
      %select_n3A_241 = arith.select %gt3A_237, %scan3A_183, %select_n3A_236 : vector<16xi1>, vector<16xi32>
      %gt3A_242 = arith.cmpf ogt, %select_n3A_240, %scan3A_176 : vector<16xf32>
      %select_n3A_243 = arith.select %gt3A_242, %select_n3A_240, %scan3A_176 : vector<16xi1>, vector<16xf32>
      %select_n3A_244 = arith.select %gt3A_242, %select_n3A_241, %scan3A_184 : vector<16xi1>, vector<16xi32>
      %select_n3A_245 = arith.select %gt3A_242, %scan3A_176, %select_n3A_240 : vector<16xi1>, vector<16xf32>
      %select_n3A_246 = arith.select %gt3A_242, %scan3A_184, %select_n3A_241 : vector<16xi1>, vector<16xi32>
      %mul3A_247 = arith.constant 32 : i32
      %mul3A_248 = arith.muli %scan3A_168, %mul3A_247 : i32
      %add3A_249 = arith.constant 16 : i32
      %add3A_250 = arith.addi %mul3A_248, %add3A_249 : i32
      %get3A_251 = arith.index_cast %add3A_250 : i32 to index
      %get3A_252 = tpu.vector_load %arg5[%get3A_251] {strides = array<i32>} : memref<12832xf32, #tpu.memory_space<vmem>>, vector<16xf32>,
      %get3A_253 = vector.shape_cast %get3A_252 : vector<16xf32> to vector<16xf32>
      %add3A_254 = vector.broadcast %add3A_250 : i32 to vector<16xi32>
      %add3A_255 = arith.addi %iota3A, %add3A_254 : vector<16xi32>
      %gt3A_256 = arith.cmpf ogt, %get3A_253, %scan3A_185 : vector<16xf32>
      %select_n3A_257 = arith.select %gt3A_256, %get3A_253, %scan3A_185 : vector<16xi1>, vector<16xf32>
      %select_n3A_258 = arith.select %gt3A_256, %add3A_255, %scan3A_193 : vector<16xi1>, vector<16xi32>
      %select_n3A_259 = arith.select %gt3A_256, %scan3A_185, %get3A_253 : vector<16xi1>, vector<16xf32>
      %select_n3A_260 = arith.select %gt3A_256, %scan3A_193, %add3A_255 : vector<16xi1>, vector<16xi32>
      %gt3A_261 = arith.cmpf ogt, %select_n3A_259, %scan3A_186 : vector<16xf32>
      %select_n3A_262 = arith.select %gt3A_261, %select_n3A_259, %scan3A_186 : vector<16xi1>, vector<16xf32>
      %select_n3A_263 = arith.select %gt3A_261, %select_n3A_260, %scan3A_194 : vector<16xi1>, vector<16xi32>
      %select_n3A_264 = arith.select %gt3A_261, %scan3A_186, %select_n3A_259 : vector<16xi1>, vector<16xf32>
      %select_n3A_265 = arith.select %gt3A_261, %scan3A_194, %select_n3A_260 : vector<16xi1>, vector<16xi32>
      %gt3A_266 = arith.cmpf ogt, %select_n3A_264, %scan3A_187 : vector<16xf32>
      %select_n3A_267 = arith.select %gt3A_266, %select_n3A_264, %scan3A_187 : vector<16xi1>, vector<16xf32>
      %select_n3A_268 = arith.select %gt3A_266, %select_n3A_265, %scan3A_195 : vector<16xi1>, vector<16xi32>
      %select_n3A_269 = arith.select %gt3A_266, %scan3A_187, %select_n3A_264 : vector<16xi1>, vector<16xf32>
      %select_n3A_270 = arith.select %gt3A_266, %scan3A_195, %select_n3A_265 : vector<16xi1>, vector<16xi32>
      %gt3A_271 = arith.cmpf ogt, %select_n3A_269, %scan3A_188 : vector<16xf32>
      %select_n3A_272 = arith.select %gt3A_271, %select_n3A_269, %scan3A_188 : vector<16xi1>, vector<16xf32>
      %select_n3A_273 = arith.select %gt3A_271, %select_n3A_270, %scan3A_196 : vector<16xi1>, vector<16xi32>
      %select_n3A_274 = arith.select %gt3A_271, %scan3A_188, %select_n3A_269 : vector<16xi1>, vector<16xf32>
      %select_n3A_275 = arith.select %gt3A_271, %scan3A_196, %select_n3A_270 : vector<16xi1>, vector<16xi32>
      %gt3A_276 = arith.cmpf ogt, %select_n3A_274, %scan3A_189 : vector<16xf32>
      %select_n3A_277 = arith.select %gt3A_276, %select_n3A_274, %scan3A_189 : vector<16xi1>, vector<16xf32>
      %select_n3A_278 = arith.select %gt3A_276, %select_n3A_275, %scan3A_197 : vector<16xi1>, vector<16xi32>
      %select_n3A_279 = arith.select %gt3A_276, %scan3A_189, %select_n3A_274 : vector<16xi1>, vector<16xf32>
      %select_n3A_280 = arith.select %gt3A_276, %scan3A_197, %select_n3A_275 : vector<16xi1>, vector<16xi32>
      %gt3A_281 = arith.cmpf ogt, %select_n3A_279, %scan3A_190 : vector<16xf32>
      %select_n3A_282 = arith.select %gt3A_281, %select_n3A_279, %scan3A_190 : vector<16xi1>, vector<16xf32>
      %select_n3A_283 = arith.select %gt3A_281, %select_n3A_280, %scan3A_198 : vector<16xi1>, vector<16xi32>
      %select_n3A_284 = arith.select %gt3A_281, %scan3A_190, %select_n3A_279 : vector<16xi1>, vector<16xf32>
      %select_n3A_285 = arith.select %gt3A_281, %scan3A_198, %select_n3A_280 : vector<16xi1>, vector<16xi32>
      %gt3A_286 = arith.cmpf ogt, %select_n3A_284, %scan3A_191 : vector<16xf32>
      %select_n3A_287 = arith.select %gt3A_286, %select_n3A_284, %scan3A_191 : vector<16xi1>, vector<16xf32>
      %select_n3A_288 = arith.select %gt3A_286, %select_n3A_285, %scan3A_199 : vector<16xi1>, vector<16xi32>
      %select_n3A_289 = arith.select %gt3A_286, %scan3A_191, %select_n3A_284 : vector<16xi1>, vector<16xf32>
      %select_n3A_290 = arith.select %gt3A_286, %scan3A_199, %select_n3A_285 : vector<16xi1>, vector<16xi32>
      %gt3A_291 = arith.cmpf ogt, %select_n3A_289, %scan3A_192 : vector<16xf32>
      %select_n3A_292 = arith.select %gt3A_291, %select_n3A_289, %scan3A_192 : vector<16xi1>, vector<16xf32>
      %select_n3A_293 = arith.select %gt3A_291, %select_n3A_290, %scan3A_200 : vector<16xi1>, vector<16xi32>
      %select_n3A_294 = arith.select %gt3A_291, %scan3A_192, %select_n3A_289 : vector<16xi1>, vector<16xf32>
      %select_n3A_295 = arith.select %gt3A_291, %scan3A_200, %select_n3A_290 : vector<16xi1>, vector<16xi32>
      scf.yield %select_n3A, %select_n3A_213, %select_n3A_218, %select_n3A_223, %select_n3A_228, %select_n3A_233, %select_n3A_238, %select_n3A_243, %select_n3A_209, %select_n3A_214, %select_n3A_219, %select_n3A_224, %select_n3A_229, %select_n3A_234, %select_n3A_239, %select_n3A_244, %select_n3A_257, %select_n3A_262, %select_n3A_267, %select_n3A_272, %select_n3A_277, %select_n3A_282, %select_n3A_287, %select_n3A_292, %select_n3A_258, %select_n3A_263, %select_n3A_268, %select_n3A_273, %select_n3A_278, %select_n3A_283, %select_n3A_288, %select_n3A_293 : vector<16xf32>, vector<16xf32>, vector<16xf32>, vector<16xf32>, vector<16xf32>, vector<16xf32>, vector<16xf32>, vector<16xf32>, vector<16xi32>, vector<16xi32>, vector<16xi32>, vector<16xi32>, vector<16xi32>, vector<16xi32>, vector<16xi32>, vector<16xi32>, vector<16xf32>, vector<16xf32>, vector<16xf32>, vector<16xf32>, vector<16xf32>, vector<16xf32>, vector<16xf32>, vector<16xf32>, vector<16xi32>, vector<16xi32>, vector<16xi32>, vector<16xi32>, vector<16xi32>, vector<16xi32>, vector<16xi32>, vector<16xi32>
    }
    %scan3A_28 = arith.constant 100 : i32
    %dma_wait3A_29 = arith.constant 3200 : i32
    %dma_wait3A_30 = tpu.memref_slice %arg5[%dma_wait3A_29] : memref<12832xf32, #tpu.memory_space<vmem>> -> memref<9632xf32, #tpu.memory_space<vmem>>
    %dma_wait3A_31 = tpu.memref_slice %arg2[%add3A_4] : memref<410624xf32, #tpu.memory_space<hbm>> -> memref<9632xf32, #tpu.memory_space<hbm>>
    %dma_wait3A_32 = arith.constant 3200 : i32
    %dma_wait3A_33 = tpu.memref_slice %arg5[%dma_wait3A_32] : memref<12832xf32, #tpu.memory_space<vmem>> -> memref<9632xf32, #tpu.memory_space<vmem>>
    %dma_wait3A_34 = tpu.memref_slice %arg2[%add3A_4] : memref<410624xf32, #tpu.memory_space<hbm>> -> memref<9632xf32, #tpu.memory_space<hbm>>
    tpu.wait_dma2 semaphore(%arg9 : memref<!tpu.dma_semaphore, #tpu.memory_space<semaphore_mem>>) src(%dma_wait3A_34 : memref<9632xf32, #tpu.memory_space<hbm>>) dst(%dma_wait3A_33 : memref<9632xf32, #tpu.memory_space<vmem>>)
    %scan3A_35 = arith.constant 100 : i32
    %scan3A_36 = arith.constant 301 : i32
    %scan3A_37 = arith.addi %scan3A_35, %scan3A_36 : i32
    %scan3A_38 = arith.constant 1 : i32
    %scan3A_39:32 = scf.for %scan3A_168 = %scan3A_35 to %scan3A_37 step %scan3A_38 iter_args(%scan3A_169 = %scan3A_27#0, %scan3A_170 = %scan3A_27#1, %scan3A_171 = %scan3A_27#2, %scan3A_172 = %scan3A_27#3, %scan3A_173 = %scan3A_27#4, %scan3A_174 = %scan3A_27#5, %scan3A_175 = %scan3A_27#6, %scan3A_176 = %scan3A_27#7, %scan3A_177 = %scan3A_27#8, %scan3A_178 = %scan3A_27#9, %scan3A_179 = %scan3A_27#10, %scan3A_180 = %scan3A_27#11, %scan3A_181 = %scan3A_27#12, %scan3A_182 = %scan3A_27#13, %scan3A_183 = %scan3A_27#14, %scan3A_184 = %scan3A_27#15, %scan3A_185 = %scan3A_27#16, %scan3A_186 = %scan3A_27#17, %scan3A_187 = %scan3A_27#18, %scan3A_188 = %scan3A_27#19, %scan3A_189 = %scan3A_27#20, %scan3A_190 = %scan3A_27#21, %scan3A_191 = %scan3A_27#22, %scan3A_192 = %scan3A_27#23, %scan3A_193 = %scan3A_27#24, %scan3A_194 = %scan3A_27#25, %scan3A_195 = %scan3A_27#26, %scan3A_196 = %scan3A_27#27, %scan3A_197 = %scan3A_27#28, %scan3A_198 = %scan3A_27#29, %scan3A_199 = %scan3A_27#30, %scan3A_200 = %scan3A_27#31) -> (vector<16xf32>, vector<16xf32>, vector<16xf32>, vector<16xf32>, vector<16xf32>, vector<16xf32>, vector<16xf32>, vector<16xf32>, vector<16xi32>, vector<16xi32>, vector<16xi32>, vector<16xi32>, vector<16xi32>, vector<16xi32>, vector<16xi32>, vector<16xi32>, vector<16xf32>, vector<16xf32>, vector<16xf32>, vector<16xf32>, vector<16xf32>, vector<16xf32>, vector<16xf32>, vector<16xf32>, vector<16xi32>, vector<16xi32>, vector<16xi32>, vector<16xi32>, vector<16xi32>, vector<16xi32>, vector<16xi32>, vector<16xi32>)  : i32 {
      %mul3A_201 = arith.constant 32 : i32
      %mul3A_202 = arith.muli %scan3A_168, %mul3A_201 : i32
      %add3A_203 = arith.constant 0 : i32
      %add3A_204 = arith.addi %mul3A_202, %add3A_203 : i32
      %get3A = arith.index_cast %add3A_204 : i32 to index
      %get3A_205 = tpu.vector_load %arg5[%get3A] {strides = array<i32>} : memref<12832xf32, #tpu.memory_space<vmem>>, vector<16xf32>,
      %get3A_206 = vector.shape_cast %get3A_205 : vector<16xf32> to vector<16xf32>
      %add3A_207 = vector.broadcast %add3A_204 : i32 to vector<16xi32>
      %add3A_208 = arith.addi %iota3A, %add3A_207 : vector<16xi32>
      %gt3A = arith.cmpf ogt, %get3A_206, %scan3A_169 : vector<16xf32>
      %select_n3A = arith.select %gt3A, %get3A_206, %scan3A_169 : vector<16xi1>, vector<16xf32>
      %select_n3A_209 = arith.select %gt3A, %add3A_208, %scan3A_177 : vector<16xi1>, vector<16xi32>
      %select_n3A_210 = arith.select %gt3A, %scan3A_169, %get3A_206 : vector<16xi1>, vector<16xf32>
      %select_n3A_211 = arith.select %gt3A, %scan3A_177, %add3A_208 : vector<16xi1>, vector<16xi32>
      %gt3A_212 = arith.cmpf ogt, %select_n3A_210, %scan3A_170 : vector<16xf32>
      %select_n3A_213 = arith.select %gt3A_212, %select_n3A_210, %scan3A_170 : vector<16xi1>, vector<16xf32>
      %select_n3A_214 = arith.select %gt3A_212, %select_n3A_211, %scan3A_178 : vector<16xi1>, vector<16xi32>
      %select_n3A_215 = arith.select %gt3A_212, %scan3A_170, %select_n3A_210 : vector<16xi1>, vector<16xf32>
      %select_n3A_216 = arith.select %gt3A_212, %scan3A_178, %select_n3A_211 : vector<16xi1>, vector<16xi32>
      %gt3A_217 = arith.cmpf ogt, %select_n3A_215, %scan3A_171 : vector<16xf32>
      %select_n3A_218 = arith.select %gt3A_217, %select_n3A_215, %scan3A_171 : vector<16xi1>, vector<16xf32>
      %select_n3A_219 = arith.select %gt3A_217, %select_n3A_216, %scan3A_179 : vector<16xi1>, vector<16xi32>
      %select_n3A_220 = arith.select %gt3A_217, %scan3A_171, %select_n3A_215 : vector<16xi1>, vector<16xf32>
      %select_n3A_221 = arith.select %gt3A_217, %scan3A_179, %select_n3A_216 : vector<16xi1>, vector<16xi32>
      %gt3A_222 = arith.cmpf ogt, %select_n3A_220, %scan3A_172 : vector<16xf32>
      %select_n3A_223 = arith.select %gt3A_222, %select_n3A_220, %scan3A_172 : vector<16xi1>, vector<16xf32>
      %select_n3A_224 = arith.select %gt3A_222, %select_n3A_221, %scan3A_180 : vector<16xi1>, vector<16xi32>
      %select_n3A_225 = arith.select %gt3A_222, %scan3A_172, %select_n3A_220 : vector<16xi1>, vector<16xf32>
      %select_n3A_226 = arith.select %gt3A_222, %scan3A_180, %select_n3A_221 : vector<16xi1>, vector<16xi32>
      %gt3A_227 = arith.cmpf ogt, %select_n3A_225, %scan3A_173 : vector<16xf32>
      %select_n3A_228 = arith.select %gt3A_227, %select_n3A_225, %scan3A_173 : vector<16xi1>, vector<16xf32>
      %select_n3A_229 = arith.select %gt3A_227, %select_n3A_226, %scan3A_181 : vector<16xi1>, vector<16xi32>
      %select_n3A_230 = arith.select %gt3A_227, %scan3A_173, %select_n3A_225 : vector<16xi1>, vector<16xf32>
      %select_n3A_231 = arith.select %gt3A_227, %scan3A_181, %select_n3A_226 : vector<16xi1>, vector<16xi32>
      %gt3A_232 = arith.cmpf ogt, %select_n3A_230, %scan3A_174 : vector<16xf32>
      %select_n3A_233 = arith.select %gt3A_232, %select_n3A_230, %scan3A_174 : vector<16xi1>, vector<16xf32>
      %select_n3A_234 = arith.select %gt3A_232, %select_n3A_231, %scan3A_182 : vector<16xi1>, vector<16xi32>
      %select_n3A_235 = arith.select %gt3A_232, %scan3A_174, %select_n3A_230 : vector<16xi1>, vector<16xf32>
      %select_n3A_236 = arith.select %gt3A_232, %scan3A_182, %select_n3A_231 : vector<16xi1>, vector<16xi32>
      %gt3A_237 = arith.cmpf ogt, %select_n3A_235, %scan3A_175 : vector<16xf32>
      %select_n3A_238 = arith.select %gt3A_237, %select_n3A_235, %scan3A_175 : vector<16xi1>, vector<16xf32>
      %select_n3A_239 = arith.select %gt3A_237, %select_n3A_236, %scan3A_183 : vector<16xi1>, vector<16xi32>
      %select_n3A_240 = arith.select %gt3A_237, %scan3A_175, %select_n3A_235 : vector<16xi1>, vector<16xf32>
      %select_n3A_241 = arith.select %gt3A_237, %scan3A_183, %select_n3A_236 : vector<16xi1>, vector<16xi32>
      %gt3A_242 = arith.cmpf ogt, %select_n3A_240, %scan3A_176 : vector<16xf32>
      %select_n3A_243 = arith.select %gt3A_242, %select_n3A_240, %scan3A_176 : vector<16xi1>, vector<16xf32>
      %select_n3A_244 = arith.select %gt3A_242, %select_n3A_241, %scan3A_184 : vector<16xi1>, vector<16xi32>
      %select_n3A_245 = arith.select %gt3A_242, %scan3A_176, %select_n3A_240 : vector<16xi1>, vector<16xf32>
      %select_n3A_246 = arith.select %gt3A_242, %scan3A_184, %select_n3A_241 : vector<16xi1>, vector<16xi32>
      %mul3A_247 = arith.constant 32 : i32
      %mul3A_248 = arith.muli %scan3A_168, %mul3A_247 : i32
      %add3A_249 = arith.constant 16 : i32
      %add3A_250 = arith.addi %mul3A_248, %add3A_249 : i32
      %get3A_251 = arith.index_cast %add3A_250 : i32 to index
      %get3A_252 = tpu.vector_load %arg5[%get3A_251] {strides = array<i32>} : memref<12832xf32, #tpu.memory_space<vmem>>, vector<16xf32>,
      %get3A_253 = vector.shape_cast %get3A_252 : vector<16xf32> to vector<16xf32>
      %add3A_254 = vector.broadcast %add3A_250 : i32 to vector<16xi32>
      %add3A_255 = arith.addi %iota3A, %add3A_254 : vector<16xi32>
      %gt3A_256 = arith.cmpf ogt, %get3A_253, %scan3A_185 : vector<16xf32>
      %select_n3A_257 = arith.select %gt3A_256, %get3A_253, %scan3A_185 : vector<16xi1>, vector<16xf32>
      %select_n3A_258 = arith.select %gt3A_256, %add3A_255, %scan3A_193 : vector<16xi1>, vector<16xi32>
      %select_n3A_259 = arith.select %gt3A_256, %scan3A_185, %get3A_253 : vector<16xi1>, vector<16xf32>
      %select_n3A_260 = arith.select %gt3A_256, %scan3A_193, %add3A_255 : vector<16xi1>, vector<16xi32>
      %gt3A_261 = arith.cmpf ogt, %select_n3A_259, %scan3A_186 : vector<16xf32>
      %select_n3A_262 = arith.select %gt3A_261, %select_n3A_259, %scan3A_186 : vector<16xi1>, vector<16xf32>
      %select_n3A_263 = arith.select %gt3A_261, %select_n3A_260, %scan3A_194 : vector<16xi1>, vector<16xi32>
      %select_n3A_264 = arith.select %gt3A_261, %scan3A_186, %select_n3A_259 : vector<16xi1>, vector<16xf32>
      %select_n3A_265 = arith.select %gt3A_261, %scan3A_194, %select_n3A_260 : vector<16xi1>, vector<16xi32>
      %gt3A_266 = arith.cmpf ogt, %select_n3A_264, %scan3A_187 : vector<16xf32>
      %select_n3A_267 = arith.select %gt3A_266, %select_n3A_264, %scan3A_187 : vector<16xi1>, vector<16xf32>
      %select_n3A_268 = arith.select %gt3A_266, %select_n3A_265, %scan3A_195 : vector<16xi1>, vector<16xi32>
      %select_n3A_269 = arith.select %gt3A_266, %scan3A_187, %select_n3A_264 : vector<16xi1>, vector<16xf32>
      %select_n3A_270 = arith.select %gt3A_266, %scan3A_195, %select_n3A_265 : vector<16xi1>, vector<16xi32>
      %gt3A_271 = arith.cmpf ogt, %select_n3A_269, %scan3A_188 : vector<16xf32>
      %select_n3A_272 = arith.select %gt3A_271, %select_n3A_269, %scan3A_188 : vector<16xi1>, vector<16xf32>
      %select_n3A_273 = arith.select %gt3A_271, %select_n3A_270, %scan3A_196 : vector<16xi1>, vector<16xi32>
      %select_n3A_274 = arith.select %gt3A_271, %scan3A_188, %select_n3A_269 : vector<16xi1>, vector<16xf32>
      %select_n3A_275 = arith.select %gt3A_271, %scan3A_196, %select_n3A_270 : vector<16xi1>, vector<16xi32>
      %gt3A_276 = arith.cmpf ogt, %select_n3A_274, %scan3A_189 : vector<16xf32>
      %select_n3A_277 = arith.select %gt3A_276, %select_n3A_274, %scan3A_189 : vector<16xi1>, vector<16xf32>
      %select_n3A_278 = arith.select %gt3A_276, %select_n3A_275, %scan3A_197 : vector<16xi1>, vector<16xi32>
      %select_n3A_279 = arith.select %gt3A_276, %scan3A_189, %select_n3A_274 : vector<16xi1>, vector<16xf32>
      %select_n3A_280 = arith.select %gt3A_276, %scan3A_197, %select_n3A_275 : vector<16xi1>, vector<16xi32>
      %gt3A_281 = arith.cmpf ogt, %select_n3A_279, %scan3A_190 : vector<16xf32>
      %select_n3A_282 = arith.select %gt3A_281, %select_n3A_279, %scan3A_190 : vector<16xi1>, vector<16xf32>
      %select_n3A_283 = arith.select %gt3A_281, %select_n3A_280, %scan3A_198 : vector<16xi1>, vector<16xi32>
      %select_n3A_284 = arith.select %gt3A_281, %scan3A_190, %select_n3A_279 : vector<16xi1>, vector<16xf32>
      %select_n3A_285 = arith.select %gt3A_281, %scan3A_198, %select_n3A_280 : vector<16xi1>, vector<16xi32>
      %gt3A_286 = arith.cmpf ogt, %select_n3A_284, %scan3A_191 : vector<16xf32>
      %select_n3A_287 = arith.select %gt3A_286, %select_n3A_284, %scan3A_191 : vector<16xi1>, vector<16xf32>
      %select_n3A_288 = arith.select %gt3A_286, %select_n3A_285, %scan3A_199 : vector<16xi1>, vector<16xi32>
      %select_n3A_289 = arith.select %gt3A_286, %scan3A_191, %select_n3A_284 : vector<16xi1>, vector<16xf32>
      %select_n3A_290 = arith.select %gt3A_286, %scan3A_199, %select_n3A_285 : vector<16xi1>, vector<16xi32>
      %gt3A_291 = arith.cmpf ogt, %select_n3A_289, %scan3A_192 : vector<16xf32>
      %select_n3A_292 = arith.select %gt3A_291, %select_n3A_289, %scan3A_192 : vector<16xi1>, vector<16xf32>
      %select_n3A_293 = arith.select %gt3A_291, %select_n3A_290, %scan3A_200 : vector<16xi1>, vector<16xi32>
      %select_n3A_294 = arith.select %gt3A_291, %scan3A_192, %select_n3A_289 : vector<16xi1>, vector<16xf32>
      %select_n3A_295 = arith.select %gt3A_291, %scan3A_200, %select_n3A_290 : vector<16xi1>, vector<16xi32>
      scf.yield %select_n3A, %select_n3A_213, %select_n3A_218, %select_n3A_223, %select_n3A_228, %select_n3A_233, %select_n3A_238, %select_n3A_243, %select_n3A_209, %select_n3A_214, %select_n3A_219, %select_n3A_224, %select_n3A_229, %select_n3A_234, %select_n3A_239, %select_n3A_244, %select_n3A_257, %select_n3A_262, %select_n3A_267, %select_n3A_272, %select_n3A_277, %select_n3A_282, %select_n3A_287, %select_n3A_292, %select_n3A_258, %select_n3A_263, %select_n3A_268, %select_n3A_273, %select_n3A_278, %select_n3A_283, %select_n3A_288, %select_n3A_293 : vector<16xf32>, vector<16xf32>, vector<16xf32>, vector<16xf32>, vector<16xf32>, vector<16xf32>, vector<16xf32>, vector<16xf32>, vector<16xi32>, vector<16xi32>, vector<16xi32>, vector<16xi32>, vector<16xi32>, vector<16xi32>, vector<16xi32>, vector<16xi32>, vector<16xf32>, vector<16xf32>, vector<16xf32>, vector<16xf32>, vector<16xf32>, vector<16xf32>, vector<16xf32>, vector<16xf32>, vector<16xi32>, vector<16xi32>, vector<16xi32>, vector<16xi32>, vector<16xi32>, vector<16xi32>, vector<16xi32>, vector<16xi32>
    }
    %scan3A_40 = arith.constant 301 : i32
    %swap3A = arith.constant 0 : index
    %swap3A_41 = tpu.vector_load %arg6[%swap3A] {strides = array<i32>} : memref<256xf32, #tpu.memory_space<vmem>>, vector<16xf32>,
    %swap3A_42 = vector.shape_cast %swap3A_41 : vector<16xf32> to vector<16xf32>
    %swap3A_43 = vector.shape_cast %scan3A_39#0 : vector<16xf32> to vector<16xf32>
    tpu.vector_store %arg6[%swap3A], %swap3A_43 {strides = array<i32>} : memref<256xf32, #tpu.memory_space<vmem>>, vector<16xf32>,
    %swap3A_44 = arith.constant 0 : index
    %swap3A_45 = tpu.vector_load %arg7[%swap3A_44] {strides = array<i32>} : memref<256xi32, #tpu.memory_space<vmem>>, vector<16xi32>,
    %swap3A_46 = vector.shape_cast %swap3A_45 : vector<16xi32> to vector<16xi32>
    %swap3A_47 = vector.shape_cast %scan3A_39#8 : vector<16xi32> to vector<16xi32>
    tpu.vector_store %arg7[%swap3A_44], %swap3A_47 {strides = array<i32>} : memref<256xi32, #tpu.memory_space<vmem>>, vector<16xi32>,
    %swap3A_48 = arith.constant 16 : index
    %swap3A_49 = tpu.vector_load %arg6[%swap3A_48] {strides = array<i32>} : memref<256xf32, #tpu.memory_space<vmem>>, vector<16xf32>,
    %swap3A_50 = vector.shape_cast %swap3A_49 : vector<16xf32> to vector<16xf32>
    %swap3A_51 = vector.shape_cast %scan3A_39#1 : vector<16xf32> to vector<16xf32>
    tpu.vector_store %arg6[%swap3A_48], %swap3A_51 {strides = array<i32>} : memref<256xf32, #tpu.memory_space<vmem>>, vector<16xf32>,
    %swap3A_52 = arith.constant 16 : index
    %swap3A_53 = tpu.vector_load %arg7[%swap3A_52] {strides = array<i32>} : memref<256xi32, #tpu.memory_space<vmem>>, vector<16xi32>,
    %swap3A_54 = vector.shape_cast %swap3A_53 : vector<16xi32> to vector<16xi32>
    %swap3A_55 = vector.shape_cast %scan3A_39#9 : vector<16xi32> to vector<16xi32>
    tpu.vector_store %arg7[%swap3A_52], %swap3A_55 {strides = array<i32>} : memref<256xi32, #tpu.memory_space<vmem>>, vector<16xi32>,
    %swap3A_56 = arith.constant 32 : index
    %swap3A_57 = tpu.vector_load %arg6[%swap3A_56] {strides = array<i32>} : memref<256xf32, #tpu.memory_space<vmem>>, vector<16xf32>,
    %swap3A_58 = vector.shape_cast %swap3A_57 : vector<16xf32> to vector<16xf32>
    %swap3A_59 = vector.shape_cast %scan3A_39#2 : vector<16xf32> to vector<16xf32>
    tpu.vector_store %arg6[%swap3A_56], %swap3A_59 {strides = array<i32>} : memref<256xf32, #tpu.memory_space<vmem>>, vector<16xf32>,
    %swap3A_60 = arith.constant 32 : index
    %swap3A_61 = tpu.vector_load %arg7[%swap3A_60] {strides = array<i32>} : memref<256xi32, #tpu.memory_space<vmem>>, vector<16xi32>,
    %swap3A_62 = vector.shape_cast %swap3A_61 : vector<16xi32> to vector<16xi32>
    %swap3A_63 = vector.shape_cast %scan3A_39#10 : vector<16xi32> to vector<16xi32>
    tpu.vector_store %arg7[%swap3A_60], %swap3A_63 {strides = array<i32>} : memref<256xi32, #tpu.memory_space<vmem>>, vector<16xi32>,
    %swap3A_64 = arith.constant 48 : index
    %swap3A_65 = tpu.vector_load %arg6[%swap3A_64] {strides = array<i32>} : memref<256xf32, #tpu.memory_space<vmem>>, vector<16xf32>,
    %swap3A_66 = vector.shape_cast %swap3A_65 : vector<16xf32> to vector<16xf32>
    %swap3A_67 = vector.shape_cast %scan3A_39#3 : vector<16xf32> to vector<16xf32>
    tpu.vector_store %arg6[%swap3A_64], %swap3A_67 {strides = array<i32>} : memref<256xf32, #tpu.memory_space<vmem>>, vector<16xf32>,
    %swap3A_68 = arith.constant 48 : index
    %swap3A_69 = tpu.vector_load %arg7[%swap3A_68] {strides = array<i32>} : memref<256xi32, #tpu.memory_space<vmem>>, vector<16xi32>,
    %swap3A_70 = vector.shape_cast %swap3A_69 : vector<16xi32> to vector<16xi32>
    %swap3A_71 = vector.shape_cast %scan3A_39#11 : vector<16xi32> to vector<16xi32>
    tpu.vector_store %arg7[%swap3A_68], %swap3A_71 {strides = array<i32>} : memref<256xi32, #tpu.memory_space<vmem>>, vector<16xi32>,
    %swap3A_72 = arith.constant 64 : index
    %swap3A_73 = tpu.vector_load %arg6[%swap3A_72] {strides = array<i32>} : memref<256xf32, #tpu.memory_space<vmem>>, vector<16xf32>,
    %swap3A_74 = vector.shape_cast %swap3A_73 : vector<16xf32> to vector<16xf32>
    %swap3A_75 = vector.shape_cast %scan3A_39#4 : vector<16xf32> to vector<16xf32>
    tpu.vector_store %arg6[%swap3A_72], %swap3A_75 {strides = array<i32>} : memref<256xf32, #tpu.memory_space<vmem>>, vector<16xf32>,
    %swap3A_76 = arith.constant 64 : index
    %swap3A_77 = tpu.vector_load %arg7[%swap3A_76] {strides = array<i32>} : memref<256xi32, #tpu.memory_space<vmem>>, vector<16xi32>,
    %swap3A_78 = vector.shape_cast %swap3A_77 : vector<16xi32> to vector<16xi32>
    %swap3A_79 = vector.shape_cast %scan3A_39#12 : vector<16xi32> to vector<16xi32>
    tpu.vector_store %arg7[%swap3A_76], %swap3A_79 {strides = array<i32>} : memref<256xi32, #tpu.memory_space<vmem>>, vector<16xi32>,
    %swap3A_80 = arith.constant 80 : index
    %swap3A_81 = tpu.vector_load %arg6[%swap3A_80] {strides = array<i32>} : memref<256xf32, #tpu.memory_space<vmem>>, vector<16xf32>,
    %swap3A_82 = vector.shape_cast %swap3A_81 : vector<16xf32> to vector<16xf32>
    %swap3A_83 = vector.shape_cast %scan3A_39#5 : vector<16xf32> to vector<16xf32>
    tpu.vector_store %arg6[%swap3A_80], %swap3A_83 {strides = array<i32>} : memref<256xf32, #tpu.memory_space<vmem>>, vector<16xf32>,
    %swap3A_84 = arith.constant 80 : index
    %swap3A_85 = tpu.vector_load %arg7[%swap3A_84] {strides = array<i32>} : memref<256xi32, #tpu.memory_space<vmem>>, vector<16xi32>,
    %swap3A_86 = vector.shape_cast %swap3A_85 : vector<16xi32> to vector<16xi32>
    %swap3A_87 = vector.shape_cast %scan3A_39#13 : vector<16xi32> to vector<16xi32>
    tpu.vector_store %arg7[%swap3A_84], %swap3A_87 {strides = array<i32>} : memref<256xi32, #tpu.memory_space<vmem>>, vector<16xi32>,
    %swap3A_88 = arith.constant 96 : index
    %swap3A_89 = tpu.vector_load %arg6[%swap3A_88] {strides = array<i32>} : memref<256xf32, #tpu.memory_space<vmem>>, vector<16xf32>,
    %swap3A_90 = vector.shape_cast %swap3A_89 : vector<16xf32> to vector<16xf32>
    %swap3A_91 = vector.shape_cast %scan3A_39#6 : vector<16xf32> to vector<16xf32>
    tpu.vector_store %arg6[%swap3A_88], %swap3A_91 {strides = array<i32>} : memref<256xf32, #tpu.memory_space<vmem>>, vector<16xf32>,
    %swap3A_92 = arith.constant 96 : index
    %swap3A_93 = tpu.vector_load %arg7[%swap3A_92] {strides = array<i32>} : memref<256xi32, #tpu.memory_space<vmem>>, vector<16xi32>,
    %swap3A_94 = vector.shape_cast %swap3A_93 : vector<16xi32> to vector<16xi32>
    %swap3A_95 = vector.shape_cast %scan3A_39#14 : vector<16xi32> to vector<16xi32>
    tpu.vector_store %arg7[%swap3A_92], %swap3A_95 {strides = array<i32>} : memref<256xi32, #tpu.memory_space<vmem>>, vector<16xi32>,
    %swap3A_96 = arith.constant 112 : index
    %swap3A_97 = tpu.vector_load %arg6[%swap3A_96] {strides = array<i32>} : memref<256xf32, #tpu.memory_space<vmem>>, vector<16xf32>,
    %swap3A_98 = vector.shape_cast %swap3A_97 : vector<16xf32> to vector<16xf32>
    %swap3A_99 = vector.shape_cast %scan3A_39#7 : vector<16xf32> to vector<16xf32>
    tpu.vector_store %arg6[%swap3A_96], %swap3A_99 {strides = array<i32>} : memref<256xf32, #tpu.memory_space<vmem>>, vector<16xf32>,
    %swap3A_100 = arith.constant 112 : index
    %swap3A_101 = tpu.vector_load %arg7[%swap3A_100] {strides = array<i32>} : memref<256xi32, #tpu.memory_space<vmem>>, vector<16xi32>,
    %swap3A_102 = vector.shape_cast %swap3A_101 : vector<16xi32> to vector<16xi32>
    %swap3A_103 = vector.shape_cast %scan3A_39#15 : vector<16xi32> to vector<16xi32>
    tpu.vector_store %arg7[%swap3A_100], %swap3A_103 {strides = array<i32>} : memref<256xi32, #tpu.memory_space<vmem>>, vector<16xi32>,
    %swap3A_104 = arith.constant 128 : index
    %swap3A_105 = tpu.vector_load %arg6[%swap3A_104] {strides = array<i32>} : memref<256xf32, #tpu.memory_space<vmem>>, vector<16xf32>,
    %swap3A_106 = vector.shape_cast %swap3A_105 : vector<16xf32> to vector<16xf32>
    %swap3A_107 = vector.shape_cast %scan3A_39#16 : vector<16xf32> to vector<16xf32>
    tpu.vector_store %arg6[%swap3A_104], %swap3A_107 {strides = array<i32>} : memref<256xf32, #tpu.memory_space<vmem>>, vector<16xf32>,
    %swap3A_108 = arith.constant 128 : index
    %swap3A_109 = tpu.vector_load %arg7[%swap3A_108] {strides = array<i32>} : memref<256xi32, #tpu.memory_space<vmem>>, vector<16xi32>,
    %swap3A_110 = vector.shape_cast %swap3A_109 : vector<16xi32> to vector<16xi32>
    %swap3A_111 = vector.shape_cast %scan3A_39#24 : vector<16xi32> to vector<16xi32>
    tpu.vector_store %arg7[%swap3A_108], %swap3A_111 {strides = array<i32>} : memref<256xi32, #tpu.memory_space<vmem>>, vector<16xi32>,
    %swap3A_112 = arith.constant 144 : index
    %swap3A_113 = tpu.vector_load %arg6[%swap3A_112] {strides = array<i32>} : memref<256xf32, #tpu.memory_space<vmem>>, vector<16xf32>,
    %swap3A_114 = vector.shape_cast %swap3A_113 : vector<16xf32> to vector<16xf32>
    %swap3A_115 = vector.shape_cast %scan3A_39#17 : vector<16xf32> to vector<16xf32>
    tpu.vector_store %arg6[%swap3A_112], %swap3A_115 {strides = array<i32>} : memref<256xf32, #tpu.memory_space<vmem>>, vector<16xf32>,
    %swap3A_116 = arith.constant 144 : index
    %swap3A_117 = tpu.vector_load %arg7[%swap3A_116] {strides = array<i32>} : memref<256xi32, #tpu.memory_space<vmem>>, vector<16xi32>,
    %swap3A_118 = vector.shape_cast %swap3A_117 : vector<16xi32> to vector<16xi32>
    %swap3A_119 = vector.shape_cast %scan3A_39#25 : vector<16xi32> to vector<16xi32>
    tpu.vector_store %arg7[%swap3A_116], %swap3A_119 {strides = array<i32>} : memref<256xi32, #tpu.memory_space<vmem>>, vector<16xi32>,
    %swap3A_120 = arith.constant 160 : index
    %swap3A_121 = tpu.vector_load %arg6[%swap3A_120] {strides = array<i32>} : memref<256xf32, #tpu.memory_space<vmem>>, vector<16xf32>,
    %swap3A_122 = vector.shape_cast %swap3A_121 : vector<16xf32> to vector<16xf32>
    %swap3A_123 = vector.shape_cast %scan3A_39#18 : vector<16xf32> to vector<16xf32>
    tpu.vector_store %arg6[%swap3A_120], %swap3A_123 {strides = array<i32>} : memref<256xf32, #tpu.memory_space<vmem>>, vector<16xf32>,
    %swap3A_124 = arith.constant 160 : index
    %swap3A_125 = tpu.vector_load %arg7[%swap3A_124] {strides = array<i32>} : memref<256xi32, #tpu.memory_space<vmem>>, vector<16xi32>,
    %swap3A_126 = vector.shape_cast %swap3A_125 : vector<16xi32> to vector<16xi32>
    %swap3A_127 = vector.shape_cast %scan3A_39#26 : vector<16xi32> to vector<16xi32>
    tpu.vector_store %arg7[%swap3A_124], %swap3A_127 {strides = array<i32>} : memref<256xi32, #tpu.memory_space<vmem>>, vector<16xi32>,
    %swap3A_128 = arith.constant 176 : index
    %swap3A_129 = tpu.vector_load %arg6[%swap3A_128] {strides = array<i32>} : memref<256xf32, #tpu.memory_space<vmem>>, vector<16xf32>,
    %swap3A_130 = vector.shape_cast %swap3A_129 : vector<16xf32> to vector<16xf32>
    %swap3A_131 = vector.shape_cast %scan3A_39#19 : vector<16xf32> to vector<16xf32>
    tpu.vector_store %arg6[%swap3A_128], %swap3A_131 {strides = array<i32>} : memref<256xf32, #tpu.memory_space<vmem>>, vector<16xf32>,
    %swap3A_132 = arith.constant 176 : index
    %swap3A_133 = tpu.vector_load %arg7[%swap3A_132] {strides = array<i32>} : memref<256xi32, #tpu.memory_space<vmem>>, vector<16xi32>,
    %swap3A_134 = vector.shape_cast %swap3A_133 : vector<16xi32> to vector<16xi32>
    %swap3A_135 = vector.shape_cast %scan3A_39#27 : vector<16xi32> to vector<16xi32>
    tpu.vector_store %arg7[%swap3A_132], %swap3A_135 {strides = array<i32>} : memref<256xi32, #tpu.memory_space<vmem>>, vector<16xi32>,
    %swap3A_136 = arith.constant 192 : index
    %swap3A_137 = tpu.vector_load %arg6[%swap3A_136] {strides = array<i32>} : memref<256xf32, #tpu.memory_space<vmem>>, vector<16xf32>,
    %swap3A_138 = vector.shape_cast %swap3A_137 : vector<16xf32> to vector<16xf32>
    %swap3A_139 = vector.shape_cast %scan3A_39#20 : vector<16xf32> to vector<16xf32>
    tpu.vector_store %arg6[%swap3A_136], %swap3A_139 {strides = array<i32>} : memref<256xf32, #tpu.memory_space<vmem>>, vector<16xf32>,
    %swap3A_140 = arith.constant 192 : index
    %swap3A_141 = tpu.vector_load %arg7[%swap3A_140] {strides = array<i32>} : memref<256xi32, #tpu.memory_space<vmem>>, vector<16xi32>,
    %swap3A_142 = vector.shape_cast %swap3A_141 : vector<16xi32> to vector<16xi32>
    %swap3A_143 = vector.shape_cast %scan3A_39#28 : vector<16xi32> to vector<16xi32>
    tpu.vector_store %arg7[%swap3A_140], %swap3A_143 {strides = array<i32>} : memref<256xi32, #tpu.memory_space<vmem>>, vector<16xi32>,
    %swap3A_144 = arith.constant 208 : index
    %swap3A_145 = tpu.vector_load %arg6[%swap3A_144] {strides = array<i32>} : memref<256xf32, #tpu.memory_space<vmem>>, vector<16xf32>,
    %swap3A_146 = vector.shape_cast %swap3A_145 : vector<16xf32> to vector<16xf32>
    %swap3A_147 = vector.shape_cast %scan3A_39#21 : vector<16xf32> to vector<16xf32>
    tpu.vector_store %arg6[%swap3A_144], %swap3A_147 {strides = array<i32>} : memref<256xf32, #tpu.memory_space<vmem>>, vector<16xf32>,
    %swap3A_148 = arith.constant 208 : index
    %swap3A_149 = tpu.vector_load %arg7[%swap3A_148] {strides = array<i32>} : memref<256xi32, #tpu.memory_space<vmem>>, vector<16xi32>,
    %swap3A_150 = vector.shape_cast %swap3A_149 : vector<16xi32> to vector<16xi32>
    %swap3A_151 = vector.shape_cast %scan3A_39#29 : vector<16xi32> to vector<16xi32>
    tpu.vector_store %arg7[%swap3A_148], %swap3A_151 {strides = array<i32>} : memref<256xi32, #tpu.memory_space<vmem>>, vector<16xi32>,
    %swap3A_152 = arith.constant 224 : index
    %swap3A_153 = tpu.vector_load %arg6[%swap3A_152] {strides = array<i32>} : memref<256xf32, #tpu.memory_space<vmem>>, vector<16xf32>,
    %swap3A_154 = vector.shape_cast %swap3A_153 : vector<16xf32> to vector<16xf32>
    %swap3A_155 = vector.shape_cast %scan3A_39#22 : vector<16xf32> to vector<16xf32>
    tpu.vector_store %arg6[%swap3A_152], %swap3A_155 {strides = array<i32>} : memref<256xf32, #tpu.memory_space<vmem>>, vector<16xf32>,
    %swap3A_156 = arith.constant 224 : index
    %swap3A_157 = tpu.vector_load %arg7[%swap3A_156] {strides = array<i32>} : memref<256xi32, #tpu.memory_space<vmem>>, vector<16xi32>,
    %swap3A_158 = vector.shape_cast %swap3A_157 : vector<16xi32> to vector<16xi32>
    %swap3A_159 = vector.shape_cast %scan3A_39#30 : vector<16xi32> to vector<16xi32>
    tpu.vector_store %arg7[%swap3A_156], %swap3A_159 {strides = array<i32>} : memref<256xi32, #tpu.memory_space<vmem>>, vector<16xi32>,
    %swap3A_160 = arith.constant 240 : index
    %swap3A_161 = tpu.vector_load %arg6[%swap3A_160] {strides = array<i32>} : memref<256xf32, #tpu.memory_space<vmem>>, vector<16xf32>,
    %swap3A_162 = vector.shape_cast %swap3A_161 : vector<16xf32> to vector<16xf32>
    %swap3A_163 = vector.shape_cast %scan3A_39#23 : vector<16xf32> to vector<16xf32>
    tpu.vector_store %arg6[%swap3A_160], %swap3A_163 {strides = array<i32>} : memref<256xf32, #tpu.memory_space<vmem>>, vector<16xf32>,
    %swap3A_164 = arith.constant 240 : index
    %swap3A_165 = tpu.vector_load %arg7[%swap3A_164] {strides = array<i32>} : memref<256xi32, #tpu.memory_space<vmem>>, vector<16xi32>,
    %swap3A_166 = vector.shape_cast %swap3A_165 : vector<16xi32> to vector<16xi32>
    %swap3A_167 = vector.shape_cast %scan3A_39#31 : vector<16xi32> to vector<16xi32>
    tpu.vector_store %arg7[%swap3A_164], %swap3A_167 {strides = array<i32>} : memref<256xi32, #tpu.memory_space<vmem>>, vector<16xi32>,
    "tpu.region"() ({
      %run_scoped3A = tpu.sem_alloc : memref<!tpu.dma_semaphore, #tpu.memory_space<semaphore_mem>>
      %dma_start3A_168 = arith.constant 0 : i32
      %dma_start3A_169 = tpu.memref_slice %arg3[%add3A, %dma_start3A_168] : memref<32x256xf32, #tpu.memory_space<hbm>> -> memref<1x256xf32, #tpu.memory_space<hbm>>
      %dma_start3A_170 = tpu.memref_squeeze %dma_start3A_169 : memref<1x256xf32, #tpu.memory_space<hbm>> -> memref<256xf32, #tpu.memory_space<hbm>>
      %dma_start3A_171 = arith.constant 0 : i32
      %dma_start3A_172 = tpu.memref_slice %arg3[%add3A, %dma_start3A_171] : memref<32x256xf32, #tpu.memory_space<hbm>> -> memref<1x256xf32, #tpu.memory_space<hbm>>
      %dma_start3A_173 = tpu.memref_squeeze %dma_start3A_172 : memref<1x256xf32, #tpu.memory_space<hbm>> -> memref<256xf32, #tpu.memory_space<hbm>>
      tpu.enqueue_dma source(%arg6 : memref<256xf32, #tpu.memory_space<vmem>>) target(%dma_start3A_173 : memref<256xf32, #tpu.memory_space<hbm>>) target_semaphore(%run_scoped3A : memref<!tpu.dma_semaphore, #tpu.memory_space<semaphore_mem>>)
      %dma_wait3A_174 = arith.constant 0 : i32
      %dma_wait3A_175 = tpu.memref_slice %arg3[%add3A, %dma_wait3A_174] : memref<32x256xf32, #tpu.memory_space<hbm>> -> memref<1x256xf32, #tpu.memory_space<hbm>>
      %dma_wait3A_176 = tpu.memref_squeeze %dma_wait3A_175 : memref<1x256xf32, #tpu.memory_space<hbm>> -> memref<256xf32, #tpu.memory_space<hbm>>
      %dma_wait3A_177 = arith.constant 0 : i32
      %dma_wait3A_178 = tpu.memref_slice %arg3[%add3A, %dma_wait3A_177] : memref<32x256xf32, #tpu.memory_space<hbm>> -> memref<1x256xf32, #tpu.memory_space<hbm>>
      %dma_wait3A_179 = tpu.memref_squeeze %dma_wait3A_178 : memref<1x256xf32, #tpu.memory_space<hbm>> -> memref<256xf32, #tpu.memory_space<hbm>>
      tpu.wait_dma2 semaphore(%run_scoped3A : memref<!tpu.dma_semaphore, #tpu.memory_space<semaphore_mem>>) src(%arg6 : memref<256xf32, #tpu.memory_space<vmem>>) dst(%dma_wait3A_179 : memref<256xf32, #tpu.memory_space<hbm>>)
      tpu.yield
    }) : () -> ()
    "tpu.region"() ({
      %run_scoped3A = tpu.sem_alloc : memref<!tpu.dma_semaphore, #tpu.memory_space<semaphore_mem>>
      %dma_start3A_168 = arith.constant 0 : i32
      %dma_start3A_169 = tpu.memref_slice %arg4[%add3A, %dma_start3A_168] : memref<32x256xi32, #tpu.memory_space<hbm>> -> memref<1x256xi32, #tpu.memory_space<hbm>>
      %dma_start3A_170 = tpu.memref_squeeze %dma_start3A_169 : memref<1x256xi32, #tpu.memory_space<hbm>> -> memref<256xi32, #tpu.memory_space<hbm>>
      %dma_start3A_171 = arith.constant 0 : i32
      %dma_start3A_172 = tpu.memref_slice %arg4[%add3A, %dma_start3A_171] : memref<32x256xi32, #tpu.memory_space<hbm>> -> memref<1x256xi32, #tpu.memory_space<hbm>>
      %dma_start3A_173 = tpu.memref_squeeze %dma_start3A_172 : memref<1x256xi32, #tpu.memory_space<hbm>> -> memref<256xi32, #tpu.memory_space<hbm>>
      tpu.enqueue_dma source(%arg7 : memref<256xi32, #tpu.memory_space<vmem>>) target(%dma_start3A_173 : memref<256xi32, #tpu.memory_space<hbm>>) target_semaphore(%run_scoped3A : memref<!tpu.dma_semaphore, #tpu.memory_space<semaphore_mem>>)
      %dma_wait3A_174 = arith.constant 0 : i32
      %dma_wait3A_175 = tpu.memref_slice %arg4[%add3A, %dma_wait3A_174] : memref<32x256xi32, #tpu.memory_space<hbm>> -> memref<1x256xi32, #tpu.memory_space<hbm>>
      %dma_wait3A_176 = tpu.memref_squeeze %dma_wait3A_175 : memref<1x256xi32, #tpu.memory_space<hbm>> -> memref<256xi32, #tpu.memory_space<hbm>>
      %dma_wait3A_177 = arith.constant 0 : i32
      %dma_wait3A_178 = tpu.memref_slice %arg4[%add3A, %dma_wait3A_177] : memref<32x256xi32, #tpu.memory_space<hbm>> -> memref<1x256xi32, #tpu.memory_space<hbm>>
      %dma_wait3A_179 = tpu.memref_squeeze %dma_wait3A_178 : memref<1x256xi32, #tpu.memory_space<hbm>> -> memref<256xi32, #tpu.memory_space<hbm>>
      tpu.wait_dma2 semaphore(%run_scoped3A : memref<!tpu.dma_semaphore, #tpu.memory_space<semaphore_mem>>) src(%arg7 : memref<256xi32, #tpu.memory_space<vmem>>) dst(%dma_wait3A_179 : memref<256xi32, #tpu.memory_space<hbm>>)
      tpu.yield
    }) : () -> ()
    return
  }
}

module attributes {stable_mosaic.version = 14 : i64} {
  func.func @_tc_lse(%arg0: memref<410624xf32, #tpu.memory_space<vmem>>, %arg1: memref<1x8xf32, #tpu.memory_space<vmem>>) attributes {dimension_semantics = [], scalar_prefetch = 0 : i64, scratch_operands = 0 : i64, tpu.core_type = #tpu.core_type<tc>} {
    %iota3A = tpu.iota {dimensions = array<i32: 1>} : vector<1x8xi32>
    %broadcast_in_dim3A = arith.constant 0.000000e+00 : f32
    %broadcast_in_dim3A_0 = vector.broadcast %broadcast_in_dim3A : f32 to vector<1x8xf32>
    %get3A = arith.constant 0 : index
    %get3A_1 = vector.load %arg0[%get3A] : memref<410624xf32, #tpu.memory_space<vmem>>, vector<51328xf32>
    %reduce_max3A = vector.shape_cast %get3A_1 : vector<51328xf32> to vector<1x51328xf32>
    %reduce_max3A_2 = arith.constant dense<0xFF800000> : vector<1xf32>
    %reduce_max3A_3 = vector.multi_reduction <maximumf>, %reduce_max3A, %reduce_max3A_2 [1] : vector<1x51328xf32> to vector<1xf32>
    %reduce_max3A_4 = vector.shape_cast %reduce_max3A_3 : vector<1xf32> to vector<1x1xf32>
    %reduce_max3A_5 = vector.extract %reduce_max3A_4[0, 0] : f32 from vector<1x1xf32>
    %eq3A = arith.constant 0 : i32
    %eq3A_6 = vector.broadcast %eq3A : i32 to vector<1x8xi32>
    %eq3A_7 = arith.cmpi eq, %iota3A, %eq3A_6 : vector<1x8xi32>
    %sub3A = vector.broadcast %reduce_max3A_5 : f32 to vector<51328xf32>
    %sub3A_8 = arith.subf %get3A_1, %sub3A : vector<51328xf32>
    %exp3A = math.exp %sub3A_8 : vector<51328xf32>
    %reduce_sum3A = vector.shape_cast %exp3A : vector<51328xf32> to vector<1x51328xf32>
    %reduce_sum3A_9 = arith.constant dense<0.000000e+00> : vector<1xf32>
    %reduce_sum3A_10 = vector.multi_reduction <add>, %reduce_sum3A, %reduce_sum3A_9 [1] : vector<1x51328xf32> to vector<1xf32>
    %reduce_sum3A_11 = vector.shape_cast %reduce_sum3A_10 : vector<1xf32> to vector<1x1xf32>
    %reduce_sum3A_12 = vector.extract %reduce_sum3A_11[0, 0] : f32 from vector<1x1xf32>
    %log3A = math.log %reduce_sum3A_12 : f32
    %add3A = arith.addf %log3A, %reduce_max3A_5 : f32
    %broadcast_in_dim3A_13 = vector.broadcast %add3A : f32 to vector<1x8xf32>
    %select_n3A = arith.select %eq3A_7, %broadcast_in_dim3A_13, %broadcast_in_dim3A_0 : vector<1x8xi1>, vector<1x8xf32>
    %get3A_14 = arith.constant 51328 : index
    %get3A_15 = vector.load %arg0[%get3A_14] : memref<410624xf32, #tpu.memory_space<vmem>>, vector<51328xf32>
    %reduce_max3A_16 = vector.shape_cast %get3A_15 : vector<51328xf32> to vector<1x51328xf32>
    %reduce_max3A_17 = arith.constant dense<0xFF800000> : vector<1xf32>
    %reduce_max3A_18 = vector.multi_reduction <maximumf>, %reduce_max3A_16, %reduce_max3A_17 [1] : vector<1x51328xf32> to vector<1xf32>
    %reduce_max3A_19 = vector.shape_cast %reduce_max3A_18 : vector<1xf32> to vector<1x1xf32>
    %reduce_max3A_20 = vector.extract %reduce_max3A_19[0, 0] : f32 from vector<1x1xf32>
    %eq3A_21 = arith.constant 1 : i32
    %eq3A_22 = vector.broadcast %eq3A_21 : i32 to vector<1x8xi32>
    %eq3A_23 = arith.cmpi eq, %iota3A, %eq3A_22 : vector<1x8xi32>
    %sub3A_24 = vector.broadcast %reduce_max3A_20 : f32 to vector<51328xf32>
    %sub3A_25 = arith.subf %get3A_15, %sub3A_24 : vector<51328xf32>
    %exp3A_26 = math.exp %sub3A_25 : vector<51328xf32>
    %reduce_sum3A_27 = vector.shape_cast %exp3A_26 : vector<51328xf32> to vector<1x51328xf32>
    %reduce_sum3A_28 = arith.constant dense<0.000000e+00> : vector<1xf32>
    %reduce_sum3A_29 = vector.multi_reduction <add>, %reduce_sum3A_27, %reduce_sum3A_28 [1] : vector<1x51328xf32> to vector<1xf32>
    %reduce_sum3A_30 = vector.shape_cast %reduce_sum3A_29 : vector<1xf32> to vector<1x1xf32>
    %reduce_sum3A_31 = vector.extract %reduce_sum3A_30[0, 0] : f32 from vector<1x1xf32>
    %log3A_32 = math.log %reduce_sum3A_31 : f32
    %add3A_33 = arith.addf %log3A_32, %reduce_max3A_20 : f32
    %broadcast_in_dim3A_34 = vector.broadcast %add3A_33 : f32 to vector<1x8xf32>
    %select_n3A_35 = arith.select %eq3A_23, %broadcast_in_dim3A_34, %select_n3A : vector<1x8xi1>, vector<1x8xf32>
    %get3A_36 = arith.constant 102656 : index
    %get3A_37 = vector.load %arg0[%get3A_36] : memref<410624xf32, #tpu.memory_space<vmem>>, vector<51328xf32>
    %reduce_max3A_38 = vector.shape_cast %get3A_37 : vector<51328xf32> to vector<1x51328xf32>
    %reduce_max3A_39 = arith.constant dense<0xFF800000> : vector<1xf32>
    %reduce_max3A_40 = vector.multi_reduction <maximumf>, %reduce_max3A_38, %reduce_max3A_39 [1] : vector<1x51328xf32> to vector<1xf32>
    %reduce_max3A_41 = vector.shape_cast %reduce_max3A_40 : vector<1xf32> to vector<1x1xf32>
    %reduce_max3A_42 = vector.extract %reduce_max3A_41[0, 0] : f32 from vector<1x1xf32>
    %eq3A_43 = arith.constant 2 : i32
    %eq3A_44 = vector.broadcast %eq3A_43 : i32 to vector<1x8xi32>
    %eq3A_45 = arith.cmpi eq, %iota3A, %eq3A_44 : vector<1x8xi32>
    %sub3A_46 = vector.broadcast %reduce_max3A_42 : f32 to vector<51328xf32>
    %sub3A_47 = arith.subf %get3A_37, %sub3A_46 : vector<51328xf32>
    %exp3A_48 = math.exp %sub3A_47 : vector<51328xf32>
    %reduce_sum3A_49 = vector.shape_cast %exp3A_48 : vector<51328xf32> to vector<1x51328xf32>
    %reduce_sum3A_50 = arith.constant dense<0.000000e+00> : vector<1xf32>
    %reduce_sum3A_51 = vector.multi_reduction <add>, %reduce_sum3A_49, %reduce_sum3A_50 [1] : vector<1x51328xf32> to vector<1xf32>
    %reduce_sum3A_52 = vector.shape_cast %reduce_sum3A_51 : vector<1xf32> to vector<1x1xf32>
    %reduce_sum3A_53 = vector.extract %reduce_sum3A_52[0, 0] : f32 from vector<1x1xf32>
    %log3A_54 = math.log %reduce_sum3A_53 : f32
    %add3A_55 = arith.addf %log3A_54, %reduce_max3A_42 : f32
    %broadcast_in_dim3A_56 = vector.broadcast %add3A_55 : f32 to vector<1x8xf32>
    %select_n3A_57 = arith.select %eq3A_45, %broadcast_in_dim3A_56, %select_n3A_35 : vector<1x8xi1>, vector<1x8xf32>
    %get3A_58 = arith.constant 153984 : index
    %get3A_59 = vector.load %arg0[%get3A_58] : memref<410624xf32, #tpu.memory_space<vmem>>, vector<51328xf32>
    %reduce_max3A_60 = vector.shape_cast %get3A_59 : vector<51328xf32> to vector<1x51328xf32>
    %reduce_max3A_61 = arith.constant dense<0xFF800000> : vector<1xf32>
    %reduce_max3A_62 = vector.multi_reduction <maximumf>, %reduce_max3A_60, %reduce_max3A_61 [1] : vector<1x51328xf32> to vector<1xf32>
    %reduce_max3A_63 = vector.shape_cast %reduce_max3A_62 : vector<1xf32> to vector<1x1xf32>
    %reduce_max3A_64 = vector.extract %reduce_max3A_63[0, 0] : f32 from vector<1x1xf32>
    %eq3A_65 = arith.constant 3 : i32
    %eq3A_66 = vector.broadcast %eq3A_65 : i32 to vector<1x8xi32>
    %eq3A_67 = arith.cmpi eq, %iota3A, %eq3A_66 : vector<1x8xi32>
    %sub3A_68 = vector.broadcast %reduce_max3A_64 : f32 to vector<51328xf32>
    %sub3A_69 = arith.subf %get3A_59, %sub3A_68 : vector<51328xf32>
    %exp3A_70 = math.exp %sub3A_69 : vector<51328xf32>
    %reduce_sum3A_71 = vector.shape_cast %exp3A_70 : vector<51328xf32> to vector<1x51328xf32>
    %reduce_sum3A_72 = arith.constant dense<0.000000e+00> : vector<1xf32>
    %reduce_sum3A_73 = vector.multi_reduction <add>, %reduce_sum3A_71, %reduce_sum3A_72 [1] : vector<1x51328xf32> to vector<1xf32>
    %reduce_sum3A_74 = vector.shape_cast %reduce_sum3A_73 : vector<1xf32> to vector<1x1xf32>
    %reduce_sum3A_75 = vector.extract %reduce_sum3A_74[0, 0] : f32 from vector<1x1xf32>
    %log3A_76 = math.log %reduce_sum3A_75 : f32
    %add3A_77 = arith.addf %log3A_76, %reduce_max3A_64 : f32
    %broadcast_in_dim3A_78 = vector.broadcast %add3A_77 : f32 to vector<1x8xf32>
    %select_n3A_79 = arith.select %eq3A_67, %broadcast_in_dim3A_78, %select_n3A_57 : vector<1x8xi1>, vector<1x8xf32>
    %get3A_80 = arith.constant 205312 : index
    %get3A_81 = vector.load %arg0[%get3A_80] : memref<410624xf32, #tpu.memory_space<vmem>>, vector<51328xf32>
    %reduce_max3A_82 = vector.shape_cast %get3A_81 : vector<51328xf32> to vector<1x51328xf32>
    %reduce_max3A_83 = arith.constant dense<0xFF800000> : vector<1xf32>
    %reduce_max3A_84 = vector.multi_reduction <maximumf>, %reduce_max3A_82, %reduce_max3A_83 [1] : vector<1x51328xf32> to vector<1xf32>
    %reduce_max3A_85 = vector.shape_cast %reduce_max3A_84 : vector<1xf32> to vector<1x1xf32>
    %reduce_max3A_86 = vector.extract %reduce_max3A_85[0, 0] : f32 from vector<1x1xf32>
    %eq3A_87 = arith.constant 4 : i32
    %eq3A_88 = vector.broadcast %eq3A_87 : i32 to vector<1x8xi32>
    %eq3A_89 = arith.cmpi eq, %iota3A, %eq3A_88 : vector<1x8xi32>
    %sub3A_90 = vector.broadcast %reduce_max3A_86 : f32 to vector<51328xf32>
    %sub3A_91 = arith.subf %get3A_81, %sub3A_90 : vector<51328xf32>
    %exp3A_92 = math.exp %sub3A_91 : vector<51328xf32>
    %reduce_sum3A_93 = vector.shape_cast %exp3A_92 : vector<51328xf32> to vector<1x51328xf32>
    %reduce_sum3A_94 = arith.constant dense<0.000000e+00> : vector<1xf32>
    %reduce_sum3A_95 = vector.multi_reduction <add>, %reduce_sum3A_93, %reduce_sum3A_94 [1] : vector<1x51328xf32> to vector<1xf32>
    %reduce_sum3A_96 = vector.shape_cast %reduce_sum3A_95 : vector<1xf32> to vector<1x1xf32>
    %reduce_sum3A_97 = vector.extract %reduce_sum3A_96[0, 0] : f32 from vector<1x1xf32>
    %log3A_98 = math.log %reduce_sum3A_97 : f32
    %add3A_99 = arith.addf %log3A_98, %reduce_max3A_86 : f32
    %broadcast_in_dim3A_100 = vector.broadcast %add3A_99 : f32 to vector<1x8xf32>
    %select_n3A_101 = arith.select %eq3A_89, %broadcast_in_dim3A_100, %select_n3A_79 : vector<1x8xi1>, vector<1x8xf32>
    %get3A_102 = arith.constant 256640 : index
    %get3A_103 = vector.load %arg0[%get3A_102] : memref<410624xf32, #tpu.memory_space<vmem>>, vector<51328xf32>
    %reduce_max3A_104 = vector.shape_cast %get3A_103 : vector<51328xf32> to vector<1x51328xf32>
    %reduce_max3A_105 = arith.constant dense<0xFF800000> : vector<1xf32>
    %reduce_max3A_106 = vector.multi_reduction <maximumf>, %reduce_max3A_104, %reduce_max3A_105 [1] : vector<1x51328xf32> to vector<1xf32>
    %reduce_max3A_107 = vector.shape_cast %reduce_max3A_106 : vector<1xf32> to vector<1x1xf32>
    %reduce_max3A_108 = vector.extract %reduce_max3A_107[0, 0] : f32 from vector<1x1xf32>
    %eq3A_109 = arith.constant 5 : i32
    %eq3A_110 = vector.broadcast %eq3A_109 : i32 to vector<1x8xi32>
    %eq3A_111 = arith.cmpi eq, %iota3A, %eq3A_110 : vector<1x8xi32>
    %sub3A_112 = vector.broadcast %reduce_max3A_108 : f32 to vector<51328xf32>
    %sub3A_113 = arith.subf %get3A_103, %sub3A_112 : vector<51328xf32>
    %exp3A_114 = math.exp %sub3A_113 : vector<51328xf32>
    %reduce_sum3A_115 = vector.shape_cast %exp3A_114 : vector<51328xf32> to vector<1x51328xf32>
    %reduce_sum3A_116 = arith.constant dense<0.000000e+00> : vector<1xf32>
    %reduce_sum3A_117 = vector.multi_reduction <add>, %reduce_sum3A_115, %reduce_sum3A_116 [1] : vector<1x51328xf32> to vector<1xf32>
    %reduce_sum3A_118 = vector.shape_cast %reduce_sum3A_117 : vector<1xf32> to vector<1x1xf32>
    %reduce_sum3A_119 = vector.extract %reduce_sum3A_118[0, 0] : f32 from vector<1x1xf32>
    %log3A_120 = math.log %reduce_sum3A_119 : f32
    %add3A_121 = arith.addf %log3A_120, %reduce_max3A_108 : f32
    %broadcast_in_dim3A_122 = vector.broadcast %add3A_121 : f32 to vector<1x8xf32>
    %select_n3A_123 = arith.select %eq3A_111, %broadcast_in_dim3A_122, %select_n3A_101 : vector<1x8xi1>, vector<1x8xf32>
    %get3A_124 = arith.constant 307968 : index
    %get3A_125 = vector.load %arg0[%get3A_124] : memref<410624xf32, #tpu.memory_space<vmem>>, vector<51328xf32>
    %reduce_max3A_126 = vector.shape_cast %get3A_125 : vector<51328xf32> to vector<1x51328xf32>
    %reduce_max3A_127 = arith.constant dense<0xFF800000> : vector<1xf32>
    %reduce_max3A_128 = vector.multi_reduction <maximumf>, %reduce_max3A_126, %reduce_max3A_127 [1] : vector<1x51328xf32> to vector<1xf32>
    %reduce_max3A_129 = vector.shape_cast %reduce_max3A_128 : vector<1xf32> to vector<1x1xf32>
    %reduce_max3A_130 = vector.extract %reduce_max3A_129[0, 0] : f32 from vector<1x1xf32>
    %eq3A_131 = arith.constant 6 : i32
    %eq3A_132 = vector.broadcast %eq3A_131 : i32 to vector<1x8xi32>
    %eq3A_133 = arith.cmpi eq, %iota3A, %eq3A_132 : vector<1x8xi32>
    %sub3A_134 = vector.broadcast %reduce_max3A_130 : f32 to vector<51328xf32>
    %sub3A_135 = arith.subf %get3A_125, %sub3A_134 : vector<51328xf32>
    %exp3A_136 = math.exp %sub3A_135 : vector<51328xf32>
    %reduce_sum3A_137 = vector.shape_cast %exp3A_136 : vector<51328xf32> to vector<1x51328xf32>
    %reduce_sum3A_138 = arith.constant dense<0.000000e+00> : vector<1xf32>
    %reduce_sum3A_139 = vector.multi_reduction <add>, %reduce_sum3A_137, %reduce_sum3A_138 [1] : vector<1x51328xf32> to vector<1xf32>
    %reduce_sum3A_140 = vector.shape_cast %reduce_sum3A_139 : vector<1xf32> to vector<1x1xf32>
    %reduce_sum3A_141 = vector.extract %reduce_sum3A_140[0, 0] : f32 from vector<1x1xf32>
    %log3A_142 = math.log %reduce_sum3A_141 : f32
    %add3A_143 = arith.addf %log3A_142, %reduce_max3A_130 : f32
    %broadcast_in_dim3A_144 = vector.broadcast %add3A_143 : f32 to vector<1x8xf32>
    %select_n3A_145 = arith.select %eq3A_133, %broadcast_in_dim3A_144, %select_n3A_123 : vector<1x8xi1>, vector<1x8xf32>
    %get3A_146 = arith.constant 359296 : index
    %get3A_147 = vector.load %arg0[%get3A_146] : memref<410624xf32, #tpu.memory_space<vmem>>, vector<51328xf32>
    %reduce_max3A_148 = vector.shape_cast %get3A_147 : vector<51328xf32> to vector<1x51328xf32>
    %reduce_max3A_149 = arith.constant dense<0xFF800000> : vector<1xf32>
    %reduce_max3A_150 = vector.multi_reduction <maximumf>, %reduce_max3A_148, %reduce_max3A_149 [1] : vector<1x51328xf32> to vector<1xf32>
    %reduce_max3A_151 = vector.shape_cast %reduce_max3A_150 : vector<1xf32> to vector<1x1xf32>
    %reduce_max3A_152 = vector.extract %reduce_max3A_151[0, 0] : f32 from vector<1x1xf32>
    %eq3A_153 = arith.constant 7 : i32
    %eq3A_154 = vector.broadcast %eq3A_153 : i32 to vector<1x8xi32>
    %eq3A_155 = arith.cmpi eq, %iota3A, %eq3A_154 : vector<1x8xi32>
    %sub3A_156 = vector.broadcast %reduce_max3A_152 : f32 to vector<51328xf32>
    %sub3A_157 = arith.subf %get3A_147, %sub3A_156 : vector<51328xf32>
    %exp3A_158 = math.exp %sub3A_157 : vector<51328xf32>
    %reduce_sum3A_159 = vector.shape_cast %exp3A_158 : vector<51328xf32> to vector<1x51328xf32>
    %reduce_sum3A_160 = arith.constant dense<0.000000e+00> : vector<1xf32>
    %reduce_sum3A_161 = vector.multi_reduction <add>, %reduce_sum3A_159, %reduce_sum3A_160 [1] : vector<1x51328xf32> to vector<1xf32>
    %reduce_sum3A_162 = vector.shape_cast %reduce_sum3A_161 : vector<1xf32> to vector<1x1xf32>
    %reduce_sum3A_163 = vector.extract %reduce_sum3A_162[0, 0] : f32 from vector<1x1xf32>
    %log3A_164 = math.log %reduce_sum3A_163 : f32
    %add3A_165 = arith.addf %log3A_164, %reduce_max3A_152 : f32
    %broadcast_in_dim3A_166 = vector.broadcast %add3A_165 : f32 to vector<1x8xf32>
    %select_n3A_167 = arith.select %eq3A_155, %broadcast_in_dim3A_166, %select_n3A_145 : vector<1x8xi1>, vector<1x8xf32>
    %swap3A = arith.constant 0 : index
    %swap3A_168 = arith.constant 0 : index
    %swap3A_169 = vector.load %arg1[%swap3A, %swap3A_168] : memref<1x8xf32, #tpu.memory_space<vmem>>, vector<1x8xf32>
    tpu.vector_store %arg1[%swap3A, %swap3A_168], %select_n3A_167 {strides = array<i32>} : memref<1x8xf32, #tpu.memory_space<vmem>>, vector<1x8xf32>,
    return
  }
}

module attributes {stable_mosaic.version = 14 : i64} {
  func.func @_tc_merge(%arg0: memref<8x1024xf32, #tpu.memory_space<vmem>>, %arg1: memref<8x1024xi32, #tpu.memory_space<vmem>>, %arg2: memref<1x8xf32, #tpu.memory_space<vmem>>, %arg3: memref<8x1xf32, #tpu.memory_space<vmem>>, %arg4: memref<8x32xi32, #tpu.memory_space<vmem>>, %arg5: memref<8x33xi32, #tpu.memory_space<vmem>>, %arg6: memref<1x8xf32, #tpu.memory_space<vmem>>, %arg7: memref<1x8xi32, #tpu.memory_space<vmem>>, %arg8: memref<1x8xi32, #tpu.memory_space<vmem>>) attributes {dimension_semantics = [], scalar_prefetch = 0 : i64, scratch_operands = 0 : i64, tpu.core_type = #tpu.core_type<tc>} {
    %iota3A = tpu.iota {dimensions = array<i32: 0>} : vector<8x1xi32>
    %broadcast_in_dim3A = arith.constant 0.000000e+00 : f32
    %broadcast_in_dim3A_0 = vector.broadcast %broadcast_in_dim3A : f32 to vector<8x1xf32>
    %eq3A = arith.constant 0 : i32
    %eq3A_1 = vector.broadcast %eq3A : i32 to vector<8x1xi32>
    %eq3A_2 = arith.cmpi eq, %iota3A, %eq3A_1 : vector<8x1xi32>
    %get3A = arith.constant 0 : index
    %get3A_3 = arith.constant 0 : index
    %get3A_4 = vector.load %arg2[%get3A, %get3A_3] : memref<1x8xf32, #tpu.memory_space<vmem>>, vector<1x1xf32>
    %get3A_5 = vector.extract %get3A_4[0, 0] : f32 from vector<1x1xf32>
    %broadcast_in_dim3A_6 = vector.broadcast %get3A_5 : f32 to vector<8x1xf32>
    %select_n3A = arith.select %eq3A_2, %broadcast_in_dim3A_6, %broadcast_in_dim3A_0 : vector<8x1xi1>, vector<8x1xf32>
    %eq3A_7 = arith.constant 1 : i32
    %eq3A_8 = vector.broadcast %eq3A_7 : i32 to vector<8x1xi32>
    %eq3A_9 = arith.cmpi eq, %iota3A, %eq3A_8 : vector<8x1xi32>
    %get3A_10 = arith.constant 0 : index
    %get3A_11 = arith.constant 1 : index
    %get3A_12 = vector.load %arg2[%get3A_10, %get3A_11] : memref<1x8xf32, #tpu.memory_space<vmem>>, vector<1x1xf32>
    %get3A_13 = vector.extract %get3A_12[0, 0] : f32 from vector<1x1xf32>
    %broadcast_in_dim3A_14 = vector.broadcast %get3A_13 : f32 to vector<8x1xf32>
    %select_n3A_15 = arith.select %eq3A_9, %broadcast_in_dim3A_14, %select_n3A : vector<8x1xi1>, vector<8x1xf32>
    %eq3A_16 = arith.constant 2 : i32
    %eq3A_17 = vector.broadcast %eq3A_16 : i32 to vector<8x1xi32>
    %eq3A_18 = arith.cmpi eq, %iota3A, %eq3A_17 : vector<8x1xi32>
    %get3A_19 = arith.constant 0 : index
    %get3A_20 = arith.constant 2 : index
    %get3A_21 = vector.load %arg2[%get3A_19, %get3A_20] : memref<1x8xf32, #tpu.memory_space<vmem>>, vector<1x1xf32>
    %get3A_22 = vector.extract %get3A_21[0, 0] : f32 from vector<1x1xf32>
    %broadcast_in_dim3A_23 = vector.broadcast %get3A_22 : f32 to vector<8x1xf32>
    %select_n3A_24 = arith.select %eq3A_18, %broadcast_in_dim3A_23, %select_n3A_15 : vector<8x1xi1>, vector<8x1xf32>
    %eq3A_25 = arith.constant 3 : i32
    %eq3A_26 = vector.broadcast %eq3A_25 : i32 to vector<8x1xi32>
    %eq3A_27 = arith.cmpi eq, %iota3A, %eq3A_26 : vector<8x1xi32>
    %get3A_28 = arith.constant 0 : index
    %get3A_29 = arith.constant 3 : index
    %get3A_30 = vector.load %arg2[%get3A_28, %get3A_29] : memref<1x8xf32, #tpu.memory_space<vmem>>, vector<1x1xf32>
    %get3A_31 = vector.extract %get3A_30[0, 0] : f32 from vector<1x1xf32>
    %broadcast_in_dim3A_32 = vector.broadcast %get3A_31 : f32 to vector<8x1xf32>
    %select_n3A_33 = arith.select %eq3A_27, %broadcast_in_dim3A_32, %select_n3A_24 : vector<8x1xi1>, vector<8x1xf32>
    %eq3A_34 = arith.constant 4 : i32
    %eq3A_35 = vector.broadcast %eq3A_34 : i32 to vector<8x1xi32>
    %eq3A_36 = arith.cmpi eq, %iota3A, %eq3A_35 : vector<8x1xi32>
    %get3A_37 = arith.constant 0 : index
    %get3A_38 = arith.constant 4 : index
    %get3A_39 = vector.load %arg2[%get3A_37, %get3A_38] : memref<1x8xf32, #tpu.memory_space<vmem>>, vector<1x1xf32>
    %get3A_40 = vector.extract %get3A_39[0, 0] : f32 from vector<1x1xf32>
    %broadcast_in_dim3A_41 = vector.broadcast %get3A_40 : f32 to vector<8x1xf32>
    %select_n3A_42 = arith.select %eq3A_36, %broadcast_in_dim3A_41, %select_n3A_33 : vector<8x1xi1>, vector<8x1xf32>
    %eq3A_43 = arith.constant 5 : i32
    %eq3A_44 = vector.broadcast %eq3A_43 : i32 to vector<8x1xi32>
    %eq3A_45 = arith.cmpi eq, %iota3A, %eq3A_44 : vector<8x1xi32>
    %get3A_46 = arith.constant 0 : index
    %get3A_47 = arith.constant 5 : index
    %get3A_48 = vector.load %arg2[%get3A_46, %get3A_47] : memref<1x8xf32, #tpu.memory_space<vmem>>, vector<1x1xf32>
    %get3A_49 = vector.extract %get3A_48[0, 0] : f32 from vector<1x1xf32>
    %broadcast_in_dim3A_50 = vector.broadcast %get3A_49 : f32 to vector<8x1xf32>
    %select_n3A_51 = arith.select %eq3A_45, %broadcast_in_dim3A_50, %select_n3A_42 : vector<8x1xi1>, vector<8x1xf32>
    %eq3A_52 = arith.constant 6 : i32
    %eq3A_53 = vector.broadcast %eq3A_52 : i32 to vector<8x1xi32>
    %eq3A_54 = arith.cmpi eq, %iota3A, %eq3A_53 : vector<8x1xi32>
    %get3A_55 = arith.constant 0 : index
    %get3A_56 = arith.constant 6 : index
    %get3A_57 = vector.load %arg2[%get3A_55, %get3A_56] : memref<1x8xf32, #tpu.memory_space<vmem>>, vector<1x1xf32>
    %get3A_58 = vector.extract %get3A_57[0, 0] : f32 from vector<1x1xf32>
    %broadcast_in_dim3A_59 = vector.broadcast %get3A_58 : f32 to vector<8x1xf32>
    %select_n3A_60 = arith.select %eq3A_54, %broadcast_in_dim3A_59, %select_n3A_51 : vector<8x1xi1>, vector<8x1xf32>
    %eq3A_61 = arith.constant 7 : i32
    %eq3A_62 = vector.broadcast %eq3A_61 : i32 to vector<8x1xi32>
    %eq3A_63 = arith.cmpi eq, %iota3A, %eq3A_62 : vector<8x1xi32>
    %get3A_64 = arith.constant 0 : index
    %get3A_65 = arith.constant 7 : index
    %get3A_66 = vector.load %arg2[%get3A_64, %get3A_65] : memref<1x8xf32, #tpu.memory_space<vmem>>, vector<1x1xf32>
    %get3A_67 = vector.extract %get3A_66[0, 0] : f32 from vector<1x1xf32>
    %broadcast_in_dim3A_68 = vector.broadcast %get3A_67 : f32 to vector<8x1xf32>
    %select_n3A_69 = arith.select %eq3A_63, %broadcast_in_dim3A_68, %select_n3A_60 : vector<8x1xi1>, vector<8x1xf32>
    %get3A_70 = arith.constant 0 : index
    %get3A_71 = arith.constant 0 : index
    %get3A_72 = vector.load %arg0[%get3A_70, %get3A_71] : memref<8x1024xf32, #tpu.memory_space<vmem>>, vector<8x1024xf32>
    %get3A_73 = arith.constant 0 : index
    %get3A_74 = arith.constant 0 : index
    %get3A_75 = vector.load %arg1[%get3A_73, %get3A_74] : memref<8x1024xi32, #tpu.memory_space<vmem>>, vector<8x1024xi32>
    %iota3A_76 = tpu.iota {dimensions = array<i32: 1>} : vector<8x1024xi32>
    %iota3A_77 = tpu.iota {dimensions = array<i32: 0>} : vector<8x1024xi32>
    %jit3A = arith.constant 256 : i32
    %div3A = vector.broadcast %jit3A : i32 to vector<8x1024xi32>
    %div3A_78 = arith.divsi %iota3A_76, %div3A : vector<8x1024xi32>
    %sign3A = arith.constant 0 : i32
    %sign3A_79 = vector.broadcast %sign3A : i32 to vector<8x1024xi32>
    %sign3A_80 = arith.cmpi sgt, %iota3A_76, %sign3A_79 : vector<8x1024xi32>
    %sign3A_81 = arith.extui %sign3A_80 : vector<8x1024xi1> to vector<8x1024xi32>
    %sign3A_82 = arith.constant 0 : i32
    %sign3A_83 = vector.broadcast %sign3A_82 : i32 to vector<8x1024xi32>
    %sign3A_84 = arith.cmpi slt, %iota3A_76, %sign3A_83 : vector<8x1024xi32>
    %sign3A_85 = arith.extui %sign3A_84 : vector<8x1024xi1> to vector<8x1024xi32>
    %sign3A_86 = arith.subi %sign3A_81, %sign3A_85 : vector<8x1024xi32>
    %sign3A_87 = arith.constant 0 : i32
    %sign3A_88 = arith.cmpi sgt, %jit3A, %sign3A_87 : i32
    %sign3A_89 = arith.extui %sign3A_88 : i1 to i32
    %sign3A_90 = arith.constant 0 : i32
    %sign3A_91 = arith.cmpi slt, %jit3A, %sign3A_90 : i32
    %sign3A_92 = arith.extui %sign3A_91 : i1 to i32
    %sign3A_93 = arith.subi %sign3A_89, %sign3A_92 : i32
    %ne3A = vector.broadcast %sign3A_93 : i32 to vector<8x1024xi32>
    %ne3A_94 = arith.cmpi ne, %sign3A_86, %ne3A : vector<8x1024xi32>
    %rem3A = vector.broadcast %jit3A : i32 to vector<8x1024xi32>
    %rem3A_95 = arith.remsi %iota3A_76, %rem3A : vector<8x1024xi32>
    %ne3A_96 = arith.constant 0 : i32
    %ne3A_97 = vector.broadcast %ne3A_96 : i32 to vector<8x1024xi32>
    %ne3A_98 = arith.cmpi ne, %rem3A_95, %ne3A_97 : vector<8x1024xi32>
    %and3A = arith.andi %ne3A_94, %ne3A_98 : vector<8x1024xi1>
    %sub3A = arith.constant 1 : i32
    %sub3A_99 = vector.broadcast %sub3A : i32 to vector<8x1024xi32>
    %sub3A_100 = arith.subi %div3A_78, %sub3A_99 : vector<8x1024xi32>
    %select_n3A_101 = arith.select %and3A, %sub3A_100, %div3A_78 : vector<8x1024xi1>, vector<8x1024xi32>
    %mul3A = arith.constant 12832 : i32
    %mul3A_102 = vector.broadcast %mul3A : i32 to vector<8x1024xi32>
    %mul3A_103 = arith.muli %select_n3A_101, %mul3A_102 : vector<8x1024xi32>
    %add3A = arith.addi %get3A_75, %mul3A_103 : vector<8x1024xi32>
    %mul3A_104 = arith.constant 51289 : i32
    %mul3A_105 = vector.broadcast %mul3A_104 : i32 to vector<8x1024xi32>
    %mul3A_106 = arith.muli %iota3A_77, %mul3A_105 : vector<8x1024xi32>
    %add3A_107 = arith.addi %mul3A_106, %add3A : vector<8x1024xi32>
    %lt3A = arith.constant 51289 : i32
    %lt3A_108 = vector.broadcast %lt3A : i32 to vector<8x1024xi32>
    %lt3A_109 = arith.cmpi slt, %add3A, %lt3A_108 : vector<8x1024xi32>
    %sub3A_110 = vector.broadcast %select_n3A_69 : vector<8x1xf32> to vector<8x1024xf32>
    %sub3A_111 = arith.subf %get3A_72, %sub3A_110 : vector<8x1024xf32>
    %get3A_112 = arith.constant 0 : index
    %get3A_113 = arith.constant 0 : index
    %get3A_114 = vector.load %arg3[%get3A_112, %get3A_113] : memref<8x1xf32, #tpu.memory_space<vmem>>, vector<8x1xf32>
    %add3A_115 = vector.broadcast %get3A_114 : vector<8x1xf32> to vector<8x1024xf32>
    %add3A_116 = arith.addf %sub3A_111, %add3A_115 : vector<8x1024xf32>
    %jit3A_117 = arith.constant -1.000000e+30 : f32
    %broadcast_in_dim3A_118 = vector.broadcast %jit3A_117 : f32 to vector<8x1024xf32>
    %select_n3A_119 = arith.select %lt3A_109, %add3A_116, %broadcast_in_dim3A_118 : vector<8x1024xi1>, vector<8x1024xf32>
    %iota3A_120 = tpu.iota {dimensions = array<i32: 1>} : vector<1x8xi32>
    %broadcast_in_dim3A_121 = arith.constant 0.000000e+00 : f32
    %broadcast_in_dim3A_122 = vector.broadcast %broadcast_in_dim3A_121 : f32 to vector<1x8xf32>
    %broadcast_in_dim3A_123 = arith.constant 0 : i32
    %broadcast_in_dim3A_124 = vector.broadcast %broadcast_in_dim3A_123 : i32 to vector<1x8xi32>
    %reduce_max3A = vector.shape_cast %select_n3A_119 : vector<8x1024xf32> to vector<1x8x1024xf32>
    %reduce_max3A_125 = arith.constant dense<0xFF800000> : vector<1xf32>
    %reduce_max3A_126 = vector.multi_reduction <maximumf>, %reduce_max3A, %reduce_max3A_125 [1, 2] : vector<1x8x1024xf32> to vector<1xf32>
    %reduce_max3A_127 = vector.shape_cast %reduce_max3A_126 : vector<1xf32> to vector<1x1x1xf32>
    %reduce_max3A_128 = vector.extract %reduce_max3A_127[0, 0, 0] : f32 from vector<1x1x1xf32>
    %eq3A_129 = vector.broadcast %reduce_max3A_128 : f32 to vector<8x1024xf32>
    %eq3A_130 = arith.cmpf oeq, %select_n3A_119, %eq3A_129 : vector<8x1024xf32>
    %jit3A_131 = arith.constant 1073741824 : i32
    %broadcast_in_dim3A_132 = vector.broadcast %jit3A_131 : i32 to vector<8x1024xi32>
    %select_n3A_133 = arith.select %eq3A_130, %add3A_107, %broadcast_in_dim3A_132 : vector<8x1024xi1>, vector<8x1024xi32>
    %reduce_min3A = vector.shape_cast %select_n3A_133 : vector<8x1024xi32> to vector<1x8x1024xi32>
    %reduce_min3A_134 = arith.constant dense<2147483647> : vector<1xi32>
    %reduce_min3A_135 = vector.multi_reduction <minsi>, %reduce_min3A, %reduce_min3A_134 [1, 2] : vector<1x8x1024xi32> to vector<1xi32>
    %reduce_min3A_136 = vector.shape_cast %reduce_min3A_135 : vector<1xi32> to vector<1x1x1xi32>
    %reduce_min3A_137 = vector.extract %reduce_min3A_136[0, 0, 0] : i32 from vector<1x1x1xi32>
    %eq3A_138 = vector.broadcast %reduce_min3A_137 : i32 to vector<8x1024xi32>
    %eq3A_139 = arith.cmpi eq, %add3A_107, %eq3A_138 : vector<8x1024xi32>
    %jit3A_140 = arith.constant -1.000000e+30 : f32
    %broadcast_in_dim3A_141 = vector.broadcast %jit3A_140 : f32 to vector<8x1024xf32>
    %select_n3A_142 = arith.select %eq3A_139, %broadcast_in_dim3A_141, %select_n3A_119 : vector<8x1024xi1>, vector<8x1024xf32>
    %eq3A_143 = arith.constant 0 : i32
    %eq3A_144 = vector.broadcast %eq3A_143 : i32 to vector<1x8xi32>
    %eq3A_145 = arith.cmpi eq, %iota3A_120, %eq3A_144 : vector<1x8xi32>
    %broadcast_in_dim3A_146 = vector.broadcast %reduce_max3A_128 : f32 to vector<1x8xf32>
    %select_n3A_147 = arith.select %eq3A_145, %broadcast_in_dim3A_146, %broadcast_in_dim3A_122 : vector<1x8xi1>, vector<1x8xf32>
    %eq3A_148 = arith.constant 0 : i32
    %eq3A_149 = vector.broadcast %eq3A_148 : i32 to vector<1x8xi32>
    %eq3A_150 = arith.cmpi eq, %iota3A_120, %eq3A_149 : vector<1x8xi32>
    %broadcast_in_dim3A_151 = vector.broadcast %reduce_min3A_137 : i32 to vector<1x8xi32>
    %select_n3A_152 = arith.select %eq3A_150, %broadcast_in_dim3A_151, %broadcast_in_dim3A_124 : vector<1x8xi1>, vector<1x8xi32>
    %reduce_max3A_153 = vector.shape_cast %select_n3A_142 : vector<8x1024xf32> to vector<1x8x1024xf32>
    %reduce_max3A_154 = arith.constant dense<0xFF800000> : vector<1xf32>
    %reduce_max3A_155 = vector.multi_reduction <maximumf>, %reduce_max3A_153, %reduce_max3A_154 [1, 2] : vector<1x8x1024xf32> to vector<1xf32>
    %reduce_max3A_156 = vector.shape_cast %reduce_max3A_155 : vector<1xf32> to vector<1x1x1xf32>
    %reduce_max3A_157 = vector.extract %reduce_max3A_156[0, 0, 0] : f32 from vector<1x1x1xf32>
    %eq3A_158 = vector.broadcast %reduce_max3A_157 : f32 to vector<8x1024xf32>
    %eq3A_159 = arith.cmpf oeq, %select_n3A_142, %eq3A_158 : vector<8x1024xf32>
    %jit3A_160 = arith.constant 1073741824 : i32
    %broadcast_in_dim3A_161 = vector.broadcast %jit3A_160 : i32 to vector<8x1024xi32>
    %select_n3A_162 = arith.select %eq3A_159, %add3A_107, %broadcast_in_dim3A_161 : vector<8x1024xi1>, vector<8x1024xi32>
    %reduce_min3A_163 = vector.shape_cast %select_n3A_162 : vector<8x1024xi32> to vector<1x8x1024xi32>
    %reduce_min3A_164 = arith.constant dense<2147483647> : vector<1xi32>
    %reduce_min3A_165 = vector.multi_reduction <minsi>, %reduce_min3A_163, %reduce_min3A_164 [1, 2] : vector<1x8x1024xi32> to vector<1xi32>
    %reduce_min3A_166 = vector.shape_cast %reduce_min3A_165 : vector<1xi32> to vector<1x1x1xi32>
    %reduce_min3A_167 = vector.extract %reduce_min3A_166[0, 0, 0] : i32 from vector<1x1x1xi32>
    %eq3A_168 = vector.broadcast %reduce_min3A_167 : i32 to vector<8x1024xi32>
    %eq3A_169 = arith.cmpi eq, %add3A_107, %eq3A_168 : vector<8x1024xi32>
    %jit3A_170 = arith.constant -1.000000e+30 : f32
    %broadcast_in_dim3A_171 = vector.broadcast %jit3A_170 : f32 to vector<8x1024xf32>
    %select_n3A_172 = arith.select %eq3A_169, %broadcast_in_dim3A_171, %select_n3A_142 : vector<8x1024xi1>, vector<8x1024xf32>
    %eq3A_173 = arith.constant 1 : i32
    %eq3A_174 = vector.broadcast %eq3A_173 : i32 to vector<1x8xi32>
    %eq3A_175 = arith.cmpi eq, %iota3A_120, %eq3A_174 : vector<1x8xi32>
    %broadcast_in_dim3A_176 = vector.broadcast %reduce_max3A_157 : f32 to vector<1x8xf32>
    %select_n3A_177 = arith.select %eq3A_175, %broadcast_in_dim3A_176, %select_n3A_147 : vector<1x8xi1>, vector<1x8xf32>
    %eq3A_178 = arith.constant 1 : i32
    %eq3A_179 = vector.broadcast %eq3A_178 : i32 to vector<1x8xi32>
    %eq3A_180 = arith.cmpi eq, %iota3A_120, %eq3A_179 : vector<1x8xi32>
    %broadcast_in_dim3A_181 = vector.broadcast %reduce_min3A_167 : i32 to vector<1x8xi32>
    %select_n3A_182 = arith.select %eq3A_180, %broadcast_in_dim3A_181, %select_n3A_152 : vector<1x8xi1>, vector<1x8xi32>
    %reduce_max3A_183 = vector.shape_cast %select_n3A_172 : vector<8x1024xf32> to vector<1x8x1024xf32>
    %reduce_max3A_184 = arith.constant dense<0xFF800000> : vector<1xf32>
    %reduce_max3A_185 = vector.multi_reduction <maximumf>, %reduce_max3A_183, %reduce_max3A_184 [1, 2] : vector<1x8x1024xf32> to vector<1xf32>
    %reduce_max3A_186 = vector.shape_cast %reduce_max3A_185 : vector<1xf32> to vector<1x1x1xf32>
    %reduce_max3A_187 = vector.extract %reduce_max3A_186[0, 0, 0] : f32 from vector<1x1x1xf32>
    %eq3A_188 = vector.broadcast %reduce_max3A_187 : f32 to vector<8x1024xf32>
    %eq3A_189 = arith.cmpf oeq, %select_n3A_172, %eq3A_188 : vector<8x1024xf32>
    %jit3A_190 = arith.constant 1073741824 : i32
    %broadcast_in_dim3A_191 = vector.broadcast %jit3A_190 : i32 to vector<8x1024xi32>
    %select_n3A_192 = arith.select %eq3A_189, %add3A_107, %broadcast_in_dim3A_191 : vector<8x1024xi1>, vector<8x1024xi32>
    %reduce_min3A_193 = vector.shape_cast %select_n3A_192 : vector<8x1024xi32> to vector<1x8x1024xi32>
    %reduce_min3A_194 = arith.constant dense<2147483647> : vector<1xi32>
    %reduce_min3A_195 = vector.multi_reduction <minsi>, %reduce_min3A_193, %reduce_min3A_194 [1, 2] : vector<1x8x1024xi32> to vector<1xi32>
    %reduce_min3A_196 = vector.shape_cast %reduce_min3A_195 : vector<1xi32> to vector<1x1x1xi32>
    %reduce_min3A_197 = vector.extract %reduce_min3A_196[0, 0, 0] : i32 from vector<1x1x1xi32>
    %eq3A_198 = vector.broadcast %reduce_min3A_197 : i32 to vector<8x1024xi32>
    %eq3A_199 = arith.cmpi eq, %add3A_107, %eq3A_198 : vector<8x1024xi32>
    %jit3A_200 = arith.constant -1.000000e+30 : f32
    %broadcast_in_dim3A_201 = vector.broadcast %jit3A_200 : f32 to vector<8x1024xf32>
    %select_n3A_202 = arith.select %eq3A_199, %broadcast_in_dim3A_201, %select_n3A_172 : vector<8x1024xi1>, vector<8x1024xf32>
    %eq3A_203 = arith.constant 2 : i32
    %eq3A_204 = vector.broadcast %eq3A_203 : i32 to vector<1x8xi32>
    %eq3A_205 = arith.cmpi eq, %iota3A_120, %eq3A_204 : vector<1x8xi32>
    %broadcast_in_dim3A_206 = vector.broadcast %reduce_max3A_187 : f32 to vector<1x8xf32>
    %select_n3A_207 = arith.select %eq3A_205, %broadcast_in_dim3A_206, %select_n3A_177 : vector<1x8xi1>, vector<1x8xf32>
    %eq3A_208 = arith.constant 2 : i32
    %eq3A_209 = vector.broadcast %eq3A_208 : i32 to vector<1x8xi32>
    %eq3A_210 = arith.cmpi eq, %iota3A_120, %eq3A_209 : vector<1x8xi32>
    %broadcast_in_dim3A_211 = vector.broadcast %reduce_min3A_197 : i32 to vector<1x8xi32>
    %select_n3A_212 = arith.select %eq3A_210, %broadcast_in_dim3A_211, %select_n3A_182 : vector<1x8xi1>, vector<1x8xi32>
    %reduce_max3A_213 = vector.shape_cast %select_n3A_202 : vector<8x1024xf32> to vector<1x8x1024xf32>
    %reduce_max3A_214 = arith.constant dense<0xFF800000> : vector<1xf32>
    %reduce_max3A_215 = vector.multi_reduction <maximumf>, %reduce_max3A_213, %reduce_max3A_214 [1, 2] : vector<1x8x1024xf32> to vector<1xf32>
    %reduce_max3A_216 = vector.shape_cast %reduce_max3A_215 : vector<1xf32> to vector<1x1x1xf32>
    %reduce_max3A_217 = vector.extract %reduce_max3A_216[0, 0, 0] : f32 from vector<1x1x1xf32>
    %eq3A_218 = vector.broadcast %reduce_max3A_217 : f32 to vector<8x1024xf32>
    %eq3A_219 = arith.cmpf oeq, %select_n3A_202, %eq3A_218 : vector<8x1024xf32>
    %jit3A_220 = arith.constant 1073741824 : i32
    %broadcast_in_dim3A_221 = vector.broadcast %jit3A_220 : i32 to vector<8x1024xi32>
    %select_n3A_222 = arith.select %eq3A_219, %add3A_107, %broadcast_in_dim3A_221 : vector<8x1024xi1>, vector<8x1024xi32>
    %reduce_min3A_223 = vector.shape_cast %select_n3A_222 : vector<8x1024xi32> to vector<1x8x1024xi32>
    %reduce_min3A_224 = arith.constant dense<2147483647> : vector<1xi32>
    %reduce_min3A_225 = vector.multi_reduction <minsi>, %reduce_min3A_223, %reduce_min3A_224 [1, 2] : vector<1x8x1024xi32> to vector<1xi32>
    %reduce_min3A_226 = vector.shape_cast %reduce_min3A_225 : vector<1xi32> to vector<1x1x1xi32>
    %reduce_min3A_227 = vector.extract %reduce_min3A_226[0, 0, 0] : i32 from vector<1x1x1xi32>
    %eq3A_228 = vector.broadcast %reduce_min3A_227 : i32 to vector<8x1024xi32>
    %eq3A_229 = arith.cmpi eq, %add3A_107, %eq3A_228 : vector<8x1024xi32>
    %jit3A_230 = arith.constant -1.000000e+30 : f32
    %broadcast_in_dim3A_231 = vector.broadcast %jit3A_230 : f32 to vector<8x1024xf32>
    %select_n3A_232 = arith.select %eq3A_229, %broadcast_in_dim3A_231, %select_n3A_202 : vector<8x1024xi1>, vector<8x1024xf32>
    %eq3A_233 = arith.constant 3 : i32
    %eq3A_234 = vector.broadcast %eq3A_233 : i32 to vector<1x8xi32>
    %eq3A_235 = arith.cmpi eq, %iota3A_120, %eq3A_234 : vector<1x8xi32>
    %broadcast_in_dim3A_236 = vector.broadcast %reduce_max3A_217 : f32 to vector<1x8xf32>
    %select_n3A_237 = arith.select %eq3A_235, %broadcast_in_dim3A_236, %select_n3A_207 : vector<1x8xi1>, vector<1x8xf32>
    %eq3A_238 = arith.constant 3 : i32
    %eq3A_239 = vector.broadcast %eq3A_238 : i32 to vector<1x8xi32>
    %eq3A_240 = arith.cmpi eq, %iota3A_120, %eq3A_239 : vector<1x8xi32>
    %broadcast_in_dim3A_241 = vector.broadcast %reduce_min3A_227 : i32 to vector<1x8xi32>
    %select_n3A_242 = arith.select %eq3A_240, %broadcast_in_dim3A_241, %select_n3A_212 : vector<1x8xi1>, vector<1x8xi32>
    %reduce_max3A_243 = vector.shape_cast %select_n3A_232 : vector<8x1024xf32> to vector<1x8x1024xf32>
    %reduce_max3A_244 = arith.constant dense<0xFF800000> : vector<1xf32>
    %reduce_max3A_245 = vector.multi_reduction <maximumf>, %reduce_max3A_243, %reduce_max3A_244 [1, 2] : vector<1x8x1024xf32> to vector<1xf32>
    %reduce_max3A_246 = vector.shape_cast %reduce_max3A_245 : vector<1xf32> to vector<1x1x1xf32>
    %reduce_max3A_247 = vector.extract %reduce_max3A_246[0, 0, 0] : f32 from vector<1x1x1xf32>
    %eq3A_248 = vector.broadcast %reduce_max3A_247 : f32 to vector<8x1024xf32>
    %eq3A_249 = arith.cmpf oeq, %select_n3A_232, %eq3A_248 : vector<8x1024xf32>
    %jit3A_250 = arith.constant 1073741824 : i32
    %broadcast_in_dim3A_251 = vector.broadcast %jit3A_250 : i32 to vector<8x1024xi32>
    %select_n3A_252 = arith.select %eq3A_249, %add3A_107, %broadcast_in_dim3A_251 : vector<8x1024xi1>, vector<8x1024xi32>
    %reduce_min3A_253 = vector.shape_cast %select_n3A_252 : vector<8x1024xi32> to vector<1x8x1024xi32>
    %reduce_min3A_254 = arith.constant dense<2147483647> : vector<1xi32>
    %reduce_min3A_255 = vector.multi_reduction <minsi>, %reduce_min3A_253, %reduce_min3A_254 [1, 2] : vector<1x8x1024xi32> to vector<1xi32>
    %reduce_min3A_256 = vector.shape_cast %reduce_min3A_255 : vector<1xi32> to vector<1x1x1xi32>
    %reduce_min3A_257 = vector.extract %reduce_min3A_256[0, 0, 0] : i32 from vector<1x1x1xi32>
    %eq3A_258 = vector.broadcast %reduce_min3A_257 : i32 to vector<8x1024xi32>
    %eq3A_259 = arith.cmpi eq, %add3A_107, %eq3A_258 : vector<8x1024xi32>
    %jit3A_260 = arith.constant -1.000000e+30 : f32
    %broadcast_in_dim3A_261 = vector.broadcast %jit3A_260 : f32 to vector<8x1024xf32>
    %select_n3A_262 = arith.select %eq3A_259, %broadcast_in_dim3A_261, %select_n3A_232 : vector<8x1024xi1>, vector<8x1024xf32>
    %eq3A_263 = arith.constant 4 : i32
    %eq3A_264 = vector.broadcast %eq3A_263 : i32 to vector<1x8xi32>
    %eq3A_265 = arith.cmpi eq, %iota3A_120, %eq3A_264 : vector<1x8xi32>
    %broadcast_in_dim3A_266 = vector.broadcast %reduce_max3A_247 : f32 to vector<1x8xf32>
    %select_n3A_267 = arith.select %eq3A_265, %broadcast_in_dim3A_266, %select_n3A_237 : vector<1x8xi1>, vector<1x8xf32>
    %eq3A_268 = arith.constant 4 : i32
    %eq3A_269 = vector.broadcast %eq3A_268 : i32 to vector<1x8xi32>
    %eq3A_270 = arith.cmpi eq, %iota3A_120, %eq3A_269 : vector<1x8xi32>
    %broadcast_in_dim3A_271 = vector.broadcast %reduce_min3A_257 : i32 to vector<1x8xi32>
    %select_n3A_272 = arith.select %eq3A_270, %broadcast_in_dim3A_271, %select_n3A_242 : vector<1x8xi1>, vector<1x8xi32>
    %reduce_max3A_273 = vector.shape_cast %select_n3A_262 : vector<8x1024xf32> to vector<1x8x1024xf32>
    %reduce_max3A_274 = arith.constant dense<0xFF800000> : vector<1xf32>
    %reduce_max3A_275 = vector.multi_reduction <maximumf>, %reduce_max3A_273, %reduce_max3A_274 [1, 2] : vector<1x8x1024xf32> to vector<1xf32>
    %reduce_max3A_276 = vector.shape_cast %reduce_max3A_275 : vector<1xf32> to vector<1x1x1xf32>
    %reduce_max3A_277 = vector.extract %reduce_max3A_276[0, 0, 0] : f32 from vector<1x1x1xf32>
    %eq3A_278 = vector.broadcast %reduce_max3A_277 : f32 to vector<8x1024xf32>
    %eq3A_279 = arith.cmpf oeq, %select_n3A_262, %eq3A_278 : vector<8x1024xf32>
    %jit3A_280 = arith.constant 1073741824 : i32
    %broadcast_in_dim3A_281 = vector.broadcast %jit3A_280 : i32 to vector<8x1024xi32>
    %select_n3A_282 = arith.select %eq3A_279, %add3A_107, %broadcast_in_dim3A_281 : vector<8x1024xi1>, vector<8x1024xi32>
    %reduce_min3A_283 = vector.shape_cast %select_n3A_282 : vector<8x1024xi32> to vector<1x8x1024xi32>
    %reduce_min3A_284 = arith.constant dense<2147483647> : vector<1xi32>
    %reduce_min3A_285 = vector.multi_reduction <minsi>, %reduce_min3A_283, %reduce_min3A_284 [1, 2] : vector<1x8x1024xi32> to vector<1xi32>
    %reduce_min3A_286 = vector.shape_cast %reduce_min3A_285 : vector<1xi32> to vector<1x1x1xi32>
    %reduce_min3A_287 = vector.extract %reduce_min3A_286[0, 0, 0] : i32 from vector<1x1x1xi32>
    %eq3A_288 = vector.broadcast %reduce_min3A_287 : i32 to vector<8x1024xi32>
    %eq3A_289 = arith.cmpi eq, %add3A_107, %eq3A_288 : vector<8x1024xi32>
    %jit3A_290 = arith.constant -1.000000e+30 : f32
    %broadcast_in_dim3A_291 = vector.broadcast %jit3A_290 : f32 to vector<8x1024xf32>
    %select_n3A_292 = arith.select %eq3A_289, %broadcast_in_dim3A_291, %select_n3A_262 : vector<8x1024xi1>, vector<8x1024xf32>
    %eq3A_293 = arith.constant 5 : i32
    %eq3A_294 = vector.broadcast %eq3A_293 : i32 to vector<1x8xi32>
    %eq3A_295 = arith.cmpi eq, %iota3A_120, %eq3A_294 : vector<1x8xi32>
    %broadcast_in_dim3A_296 = vector.broadcast %reduce_max3A_277 : f32 to vector<1x8xf32>
    %select_n3A_297 = arith.select %eq3A_295, %broadcast_in_dim3A_296, %select_n3A_267 : vector<1x8xi1>, vector<1x8xf32>
    %eq3A_298 = arith.constant 5 : i32
    %eq3A_299 = vector.broadcast %eq3A_298 : i32 to vector<1x8xi32>
    %eq3A_300 = arith.cmpi eq, %iota3A_120, %eq3A_299 : vector<1x8xi32>
    %broadcast_in_dim3A_301 = vector.broadcast %reduce_min3A_287 : i32 to vector<1x8xi32>
    %select_n3A_302 = arith.select %eq3A_300, %broadcast_in_dim3A_301, %select_n3A_272 : vector<1x8xi1>, vector<1x8xi32>
    %reduce_max3A_303 = vector.shape_cast %select_n3A_292 : vector<8x1024xf32> to vector<1x8x1024xf32>
    %reduce_max3A_304 = arith.constant dense<0xFF800000> : vector<1xf32>
    %reduce_max3A_305 = vector.multi_reduction <maximumf>, %reduce_max3A_303, %reduce_max3A_304 [1, 2] : vector<1x8x1024xf32> to vector<1xf32>
    %reduce_max3A_306 = vector.shape_cast %reduce_max3A_305 : vector<1xf32> to vector<1x1x1xf32>
    %reduce_max3A_307 = vector.extract %reduce_max3A_306[0, 0, 0] : f32 from vector<1x1x1xf32>
    %eq3A_308 = vector.broadcast %reduce_max3A_307 : f32 to vector<8x1024xf32>
    %eq3A_309 = arith.cmpf oeq, %select_n3A_292, %eq3A_308 : vector<8x1024xf32>
    %jit3A_310 = arith.constant 1073741824 : i32
    %broadcast_in_dim3A_311 = vector.broadcast %jit3A_310 : i32 to vector<8x1024xi32>
    %select_n3A_312 = arith.select %eq3A_309, %add3A_107, %broadcast_in_dim3A_311 : vector<8x1024xi1>, vector<8x1024xi32>
    %reduce_min3A_313 = vector.shape_cast %select_n3A_312 : vector<8x1024xi32> to vector<1x8x1024xi32>
    %reduce_min3A_314 = arith.constant dense<2147483647> : vector<1xi32>
    %reduce_min3A_315 = vector.multi_reduction <minsi>, %reduce_min3A_313, %reduce_min3A_314 [1, 2] : vector<1x8x1024xi32> to vector<1xi32>
    %reduce_min3A_316 = vector.shape_cast %reduce_min3A_315 : vector<1xi32> to vector<1x1x1xi32>
    %reduce_min3A_317 = vector.extract %reduce_min3A_316[0, 0, 0] : i32 from vector<1x1x1xi32>
    %eq3A_318 = vector.broadcast %reduce_min3A_317 : i32 to vector<8x1024xi32>
    %eq3A_319 = arith.cmpi eq, %add3A_107, %eq3A_318 : vector<8x1024xi32>
    %jit3A_320 = arith.constant -1.000000e+30 : f32
    %broadcast_in_dim3A_321 = vector.broadcast %jit3A_320 : f32 to vector<8x1024xf32>
    %select_n3A_322 = arith.select %eq3A_319, %broadcast_in_dim3A_321, %select_n3A_292 : vector<8x1024xi1>, vector<8x1024xf32>
    %eq3A_323 = arith.constant 6 : i32
    %eq3A_324 = vector.broadcast %eq3A_323 : i32 to vector<1x8xi32>
    %eq3A_325 = arith.cmpi eq, %iota3A_120, %eq3A_324 : vector<1x8xi32>
    %broadcast_in_dim3A_326 = vector.broadcast %reduce_max3A_307 : f32 to vector<1x8xf32>
    %select_n3A_327 = arith.select %eq3A_325, %broadcast_in_dim3A_326, %select_n3A_297 : vector<1x8xi1>, vector<1x8xf32>
    %eq3A_328 = arith.constant 6 : i32
    %eq3A_329 = vector.broadcast %eq3A_328 : i32 to vector<1x8xi32>
    %eq3A_330 = arith.cmpi eq, %iota3A_120, %eq3A_329 : vector<1x8xi32>
    %broadcast_in_dim3A_331 = vector.broadcast %reduce_min3A_317 : i32 to vector<1x8xi32>
    %select_n3A_332 = arith.select %eq3A_330, %broadcast_in_dim3A_331, %select_n3A_302 : vector<1x8xi1>, vector<1x8xi32>
    %reduce_max3A_333 = vector.shape_cast %select_n3A_322 : vector<8x1024xf32> to vector<1x8x1024xf32>
    %reduce_max3A_334 = arith.constant dense<0xFF800000> : vector<1xf32>
    %reduce_max3A_335 = vector.multi_reduction <maximumf>, %reduce_max3A_333, %reduce_max3A_334 [1, 2] : vector<1x8x1024xf32> to vector<1xf32>
    %reduce_max3A_336 = vector.shape_cast %reduce_max3A_335 : vector<1xf32> to vector<1x1x1xf32>
    %reduce_max3A_337 = vector.extract %reduce_max3A_336[0, 0, 0] : f32 from vector<1x1x1xf32>
    %eq3A_338 = vector.broadcast %reduce_max3A_337 : f32 to vector<8x1024xf32>
    %eq3A_339 = arith.cmpf oeq, %select_n3A_322, %eq3A_338 : vector<8x1024xf32>
    %jit3A_340 = arith.constant 1073741824 : i32
    %broadcast_in_dim3A_341 = vector.broadcast %jit3A_340 : i32 to vector<8x1024xi32>
    %select_n3A_342 = arith.select %eq3A_339, %add3A_107, %broadcast_in_dim3A_341 : vector<8x1024xi1>, vector<8x1024xi32>
    %reduce_min3A_343 = vector.shape_cast %select_n3A_342 : vector<8x1024xi32> to vector<1x8x1024xi32>
    %reduce_min3A_344 = arith.constant dense<2147483647> : vector<1xi32>
    %reduce_min3A_345 = vector.multi_reduction <minsi>, %reduce_min3A_343, %reduce_min3A_344 [1, 2] : vector<1x8x1024xi32> to vector<1xi32>
    %reduce_min3A_346 = vector.shape_cast %reduce_min3A_345 : vector<1xi32> to vector<1x1x1xi32>
    %reduce_min3A_347 = vector.extract %reduce_min3A_346[0, 0, 0] : i32 from vector<1x1x1xi32>
    %eq3A_348 = arith.constant 7 : i32
    %eq3A_349 = vector.broadcast %eq3A_348 : i32 to vector<1x8xi32>
    %eq3A_350 = arith.cmpi eq, %iota3A_120, %eq3A_349 : vector<1x8xi32>
    %broadcast_in_dim3A_351 = vector.broadcast %reduce_max3A_337 : f32 to vector<1x8xf32>
    %select_n3A_352 = arith.select %eq3A_350, %broadcast_in_dim3A_351, %select_n3A_327 : vector<1x8xi1>, vector<1x8xf32>
    %eq3A_353 = arith.constant 7 : i32
    %eq3A_354 = vector.broadcast %eq3A_353 : i32 to vector<1x8xi32>
    %eq3A_355 = arith.cmpi eq, %iota3A_120, %eq3A_354 : vector<1x8xi32>
    %broadcast_in_dim3A_356 = vector.broadcast %reduce_min3A_347 : i32 to vector<1x8xi32>
    %select_n3A_357 = arith.select %eq3A_355, %broadcast_in_dim3A_356, %select_n3A_332 : vector<1x8xi1>, vector<1x8xi32>
    %swap3A = arith.constant 0 : index
    %swap3A_358 = arith.constant 0 : index
    %swap3A_359 = vector.load %arg6[%swap3A, %swap3A_358] : memref<1x8xf32, #tpu.memory_space<vmem>>, vector<1x8xf32>
    tpu.vector_store %arg6[%swap3A, %swap3A_358], %select_n3A_352 {strides = array<i32>} : memref<1x8xf32, #tpu.memory_space<vmem>>, vector<1x8xf32>,
    %jit3A_360 = arith.constant 51289 : i32
    %eq3A_361 = arith.constant 0 : i32
    %eq3A_362 = arith.cmpi eq, %jit3A_360, %eq3A_361 : i32
    %jit3A_363 = arith.constant 1 : i32
    %select_n3A_364 = arith.select %eq3A_362, %jit3A_363, %jit3A_360 : i32
    %rem3A_365 = vector.broadcast %select_n3A_364 : i32 to vector<1x8xi32>
    %rem3A_366 = arith.remsi %select_n3A_357, %rem3A_365 : vector<1x8xi32>
    %ne3A_367 = arith.constant 0 : i32
    %ne3A_368 = vector.broadcast %ne3A_367 : i32 to vector<1x8xi32>
    %ne3A_369 = arith.cmpi ne, %rem3A_366, %ne3A_368 : vector<1x8xi32>
    %lt3A_370 = arith.constant 0 : i32
    %lt3A_371 = vector.broadcast %lt3A_370 : i32 to vector<1x8xi32>
    %lt3A_372 = arith.cmpi slt, %rem3A_366, %lt3A_371 : vector<1x8xi32>
    %lt3A_373 = arith.constant 0 : i32
    %lt3A_374 = arith.cmpi slt, %select_n3A_364, %lt3A_373 : i32
    %ne3A_375 = vector.broadcast %lt3A_374 : i1 to vector<1x8xi1>
    %ne3A_376 = vector.broadcast %ne3A_375 : vector<1x8xi1> to vector<1x8xi1>
    %ne3A_377 = arith.xori %lt3A_372, %ne3A_376 : vector<1x8xi1>
    %and3A_378 = arith.andi %ne3A_377, %ne3A_369 : vector<1x8xi1>
    %add3A_379 = vector.broadcast %select_n3A_364 : i32 to vector<1x8xi32>
    %add3A_380 = arith.addi %rem3A_366, %add3A_379 : vector<1x8xi32>
    %select_n3A_381 = arith.select %and3A_378, %add3A_380, %rem3A_366 : vector<1x8xi1>, vector<1x8xi32>
    %swap3A_382 = arith.constant 0 : index
    %swap3A_383 = arith.constant 0 : index
    %swap3A_384 = vector.load %arg7[%swap3A_382, %swap3A_383] : memref<1x8xi32, #tpu.memory_space<vmem>>, vector<1x8xi32>
    tpu.vector_store %arg7[%swap3A_382, %swap3A_383], %select_n3A_381 {strides = array<i32>} : memref<1x8xi32, #tpu.memory_space<vmem>>, vector<1x8xi32>,
    %jit3A_385 = arith.constant 51289 : i32
    %div3A_386 = vector.broadcast %jit3A_385 : i32 to vector<1x8xi32>
    %div3A_387 = arith.divsi %select_n3A_357, %div3A_386 : vector<1x8xi32>
    %sign3A_388 = arith.constant 0 : i32
    %sign3A_389 = vector.broadcast %sign3A_388 : i32 to vector<1x8xi32>
    %sign3A_390 = arith.cmpi sgt, %select_n3A_357, %sign3A_389 : vector<1x8xi32>
    %sign3A_391 = arith.extui %sign3A_390 : vector<1x8xi1> to vector<1x8xi32>
    %sign3A_392 = arith.constant 0 : i32
    %sign3A_393 = vector.broadcast %sign3A_392 : i32 to vector<1x8xi32>
    %sign3A_394 = arith.cmpi slt, %select_n3A_357, %sign3A_393 : vector<1x8xi32>
    %sign3A_395 = arith.extui %sign3A_394 : vector<1x8xi1> to vector<1x8xi32>
    %sign3A_396 = arith.subi %sign3A_391, %sign3A_395 : vector<1x8xi32>
    %sign3A_397 = arith.constant 0 : i32
    %sign3A_398 = arith.cmpi sgt, %jit3A_385, %sign3A_397 : i32
    %sign3A_399 = arith.extui %sign3A_398 : i1 to i32
    %sign3A_400 = arith.constant 0 : i32
    %sign3A_401 = arith.cmpi slt, %jit3A_385, %sign3A_400 : i32
    %sign3A_402 = arith.extui %sign3A_401 : i1 to i32
    %sign3A_403 = arith.subi %sign3A_399, %sign3A_402 : i32
    %ne3A_404 = vector.broadcast %sign3A_403 : i32 to vector<1x8xi32>
    %ne3A_405 = arith.cmpi ne, %sign3A_396, %ne3A_404 : vector<1x8xi32>
    %rem3A_406 = vector.broadcast %jit3A_385 : i32 to vector<1x8xi32>
    %rem3A_407 = arith.remsi %select_n3A_357, %rem3A_406 : vector<1x8xi32>
    %ne3A_408 = arith.constant 0 : i32
    %ne3A_409 = vector.broadcast %ne3A_408 : i32 to vector<1x8xi32>
    %ne3A_410 = arith.cmpi ne, %rem3A_407, %ne3A_409 : vector<1x8xi32>
    %and3A_411 = arith.andi %ne3A_405, %ne3A_410 : vector<1x8xi1>
    %sub3A_412 = arith.constant 1 : i32
    %sub3A_413 = vector.broadcast %sub3A_412 : i32 to vector<1x8xi32>
    %sub3A_414 = arith.subi %div3A_387, %sub3A_413 : vector<1x8xi32>
    %select_n3A_415 = arith.select %and3A_411, %sub3A_414, %div3A_387 : vector<1x8xi1>, vector<1x8xi32>
    %swap3A_416 = arith.constant 0 : index
    %swap3A_417 = arith.constant 0 : index
    %swap3A_418 = vector.load %arg8[%swap3A_416, %swap3A_417] : memref<1x8xi32, #tpu.memory_space<vmem>>, vector<1x8xi32>
    tpu.vector_store %arg8[%swap3A_416, %swap3A_417], %select_n3A_415 {strides = array<i32>} : memref<1x8xi32, #tpu.memory_space<vmem>>, vector<1x8xi32>,
    %iota3A_419 = tpu.iota {dimensions = array<i32: 0>} : vector<8x1xi32>
    %broadcast_in_dim3A_420 = arith.constant 0 : i32
    %broadcast_in_dim3A_421 = vector.broadcast %broadcast_in_dim3A_420 : i32 to vector<8x1xi32>
    %broadcast_in_dim3A_422 = arith.constant 0 : i32
    %broadcast_in_dim3A_423 = vector.broadcast %broadcast_in_dim3A_422 : i32 to vector<8x1xi32>
    %eq3A_424 = arith.constant 0 : i32
    %eq3A_425 = vector.broadcast %eq3A_424 : i32 to vector<8x1xi32>
    %eq3A_426 = arith.cmpi eq, %iota3A_419, %eq3A_425 : vector<8x1xi32>
    %jit3A_427 = arith.constant 51289 : i32
    %div3A_428 = arith.divsi %reduce_min3A_137, %jit3A_427 : i32
    %sign3A_429 = arith.constant 0 : i32
    %sign3A_430 = arith.cmpi sgt, %reduce_min3A_137, %sign3A_429 : i32
    %sign3A_431 = arith.extui %sign3A_430 : i1 to i32
    %sign3A_432 = arith.constant 0 : i32
    %sign3A_433 = arith.cmpi slt, %reduce_min3A_137, %sign3A_432 : i32
    %sign3A_434 = arith.extui %sign3A_433 : i1 to i32
    %sign3A_435 = arith.subi %sign3A_431, %sign3A_434 : i32
    %sign3A_436 = arith.constant 0 : i32
    %sign3A_437 = arith.cmpi sgt, %jit3A_427, %sign3A_436 : i32
    %sign3A_438 = arith.extui %sign3A_437 : i1 to i32
    %sign3A_439 = arith.constant 0 : i32
    %sign3A_440 = arith.cmpi slt, %jit3A_427, %sign3A_439 : i32
    %sign3A_441 = arith.extui %sign3A_440 : i1 to i32
    %sign3A_442 = arith.subi %sign3A_438, %sign3A_441 : i32
    %ne3A_443 = arith.cmpi ne, %sign3A_435, %sign3A_442 : i32
    %rem3A_444 = arith.remsi %reduce_min3A_137, %jit3A_427 : i32
    %ne3A_445 = arith.constant 0 : i32
    %ne3A_446 = arith.cmpi ne, %rem3A_444, %ne3A_445 : i32
    %and3A_447 = arith.andi %ne3A_443, %ne3A_446 : i1
    %sub3A_448 = arith.constant 1 : i32
    %sub3A_449 = arith.subi %div3A_428, %sub3A_448 : i32
    %select_n3A_450 = arith.select %and3A_447, %sub3A_449, %div3A_428 : i32
    %broadcast_in_dim3A_451 = vector.broadcast %select_n3A_450 : i32 to vector<8x1xi32>
    %select_n3A_452 = arith.select %eq3A_426, %broadcast_in_dim3A_451, %broadcast_in_dim3A_421 : vector<8x1xi1>, vector<8x1xi32>
    %eq3A_453 = arith.constant 0 : i32
    %eq3A_454 = vector.broadcast %eq3A_453 : i32 to vector<8x1xi32>
    %eq3A_455 = arith.cmpi eq, %iota3A_419, %eq3A_454 : vector<8x1xi32>
    %jit3A_456 = arith.constant 51289 : i32
    %eq3A_457 = arith.constant 0 : i32
    %eq3A_458 = arith.cmpi eq, %jit3A_456, %eq3A_457 : i32
    %jit3A_459 = arith.constant 1 : i32
    %select_n3A_460 = arith.select %eq3A_458, %jit3A_459, %jit3A_456 : i32
    %rem3A_461 = arith.remsi %reduce_min3A_137, %select_n3A_460 : i32
    %ne3A_462 = arith.constant 0 : i32
    %ne3A_463 = arith.cmpi ne, %rem3A_461, %ne3A_462 : i32
    %lt3A_464 = arith.constant 0 : i32
    %lt3A_465 = arith.cmpi slt, %rem3A_461, %lt3A_464 : i32
    %lt3A_466 = arith.constant 0 : i32
    %lt3A_467 = arith.cmpi slt, %select_n3A_460, %lt3A_466 : i32
    %ne3A_468 = arith.xori %lt3A_465, %lt3A_467 : i1
    %and3A_469 = arith.andi %ne3A_468, %ne3A_463 : i1
    %add3A_470 = arith.addi %rem3A_461, %select_n3A_460 : i32
    %select_n3A_471 = arith.select %and3A_469, %add3A_470, %rem3A_461 : i32
    %broadcast_in_dim3A_472 = vector.broadcast %select_n3A_471 : i32 to vector<8x1xi32>
    %select_n3A_473 = arith.select %eq3A_455, %broadcast_in_dim3A_472, %broadcast_in_dim3A_423 : vector<8x1xi1>, vector<8x1xi32>
    %eq3A_474 = arith.constant 1 : i32
    %eq3A_475 = vector.broadcast %eq3A_474 : i32 to vector<8x1xi32>
    %eq3A_476 = arith.cmpi eq, %iota3A_419, %eq3A_475 : vector<8x1xi32>
    %jit3A_477 = arith.constant 51289 : i32
    %div3A_478 = arith.divsi %reduce_min3A_167, %jit3A_477 : i32
    %sign3A_479 = arith.constant 0 : i32
    %sign3A_480 = arith.cmpi sgt, %reduce_min3A_167, %sign3A_479 : i32
    %sign3A_481 = arith.extui %sign3A_480 : i1 to i32
    %sign3A_482 = arith.constant 0 : i32
    %sign3A_483 = arith.cmpi slt, %reduce_min3A_167, %sign3A_482 : i32
    %sign3A_484 = arith.extui %sign3A_483 : i1 to i32
    %sign3A_485 = arith.subi %sign3A_481, %sign3A_484 : i32
    %sign3A_486 = arith.constant 0 : i32
    %sign3A_487 = arith.cmpi sgt, %jit3A_477, %sign3A_486 : i32
    %sign3A_488 = arith.extui %sign3A_487 : i1 to i32
    %sign3A_489 = arith.constant 0 : i32
    %sign3A_490 = arith.cmpi slt, %jit3A_477, %sign3A_489 : i32
    %sign3A_491 = arith.extui %sign3A_490 : i1 to i32
    %sign3A_492 = arith.subi %sign3A_488, %sign3A_491 : i32
    %ne3A_493 = arith.cmpi ne, %sign3A_485, %sign3A_492 : i32
    %rem3A_494 = arith.remsi %reduce_min3A_167, %jit3A_477 : i32
    %ne3A_495 = arith.constant 0 : i32
    %ne3A_496 = arith.cmpi ne, %rem3A_494, %ne3A_495 : i32
    %and3A_497 = arith.andi %ne3A_493, %ne3A_496 : i1
    %sub3A_498 = arith.constant 1 : i32
    %sub3A_499 = arith.subi %div3A_478, %sub3A_498 : i32
    %select_n3A_500 = arith.select %and3A_497, %sub3A_499, %div3A_478 : i32
    %broadcast_in_dim3A_501 = vector.broadcast %select_n3A_500 : i32 to vector<8x1xi32>
    %select_n3A_502 = arith.select %eq3A_476, %broadcast_in_dim3A_501, %select_n3A_452 : vector<8x1xi1>, vector<8x1xi32>
    %eq3A_503 = arith.constant 1 : i32
    %eq3A_504 = vector.broadcast %eq3A_503 : i32 to vector<8x1xi32>
    %eq3A_505 = arith.cmpi eq, %iota3A_419, %eq3A_504 : vector<8x1xi32>
    %jit3A_506 = arith.constant 51289 : i32
    %eq3A_507 = arith.constant 0 : i32
    %eq3A_508 = arith.cmpi eq, %jit3A_506, %eq3A_507 : i32
    %jit3A_509 = arith.constant 1 : i32
    %select_n3A_510 = arith.select %eq3A_508, %jit3A_509, %jit3A_506 : i32
    %rem3A_511 = arith.remsi %reduce_min3A_167, %select_n3A_510 : i32
    %ne3A_512 = arith.constant 0 : i32
    %ne3A_513 = arith.cmpi ne, %rem3A_511, %ne3A_512 : i32
    %lt3A_514 = arith.constant 0 : i32
    %lt3A_515 = arith.cmpi slt, %rem3A_511, %lt3A_514 : i32
    %lt3A_516 = arith.constant 0 : i32
    %lt3A_517 = arith.cmpi slt, %select_n3A_510, %lt3A_516 : i32
    %ne3A_518 = arith.xori %lt3A_515, %lt3A_517 : i1
    %and3A_519 = arith.andi %ne3A_518, %ne3A_513 : i1
    %add3A_520 = arith.addi %rem3A_511, %select_n3A_510 : i32
    %select_n3A_521 = arith.select %and3A_519, %add3A_520, %rem3A_511 : i32
    %broadcast_in_dim3A_522 = vector.broadcast %select_n3A_521 : i32 to vector<8x1xi32>
    %select_n3A_523 = arith.select %eq3A_505, %broadcast_in_dim3A_522, %select_n3A_473 : vector<8x1xi1>, vector<8x1xi32>
    %eq3A_524 = arith.constant 2 : i32
    %eq3A_525 = vector.broadcast %eq3A_524 : i32 to vector<8x1xi32>
    %eq3A_526 = arith.cmpi eq, %iota3A_419, %eq3A_525 : vector<8x1xi32>
    %jit3A_527 = arith.constant 51289 : i32
    %div3A_528 = arith.divsi %reduce_min3A_197, %jit3A_527 : i32
    %sign3A_529 = arith.constant 0 : i32
    %sign3A_530 = arith.cmpi sgt, %reduce_min3A_197, %sign3A_529 : i32
    %sign3A_531 = arith.extui %sign3A_530 : i1 to i32
    %sign3A_532 = arith.constant 0 : i32
    %sign3A_533 = arith.cmpi slt, %reduce_min3A_197, %sign3A_532 : i32
    %sign3A_534 = arith.extui %sign3A_533 : i1 to i32
    %sign3A_535 = arith.subi %sign3A_531, %sign3A_534 : i32
    %sign3A_536 = arith.constant 0 : i32
    %sign3A_537 = arith.cmpi sgt, %jit3A_527, %sign3A_536 : i32
    %sign3A_538 = arith.extui %sign3A_537 : i1 to i32
    %sign3A_539 = arith.constant 0 : i32
    %sign3A_540 = arith.cmpi slt, %jit3A_527, %sign3A_539 : i32
    %sign3A_541 = arith.extui %sign3A_540 : i1 to i32
    %sign3A_542 = arith.subi %sign3A_538, %sign3A_541 : i32
    %ne3A_543 = arith.cmpi ne, %sign3A_535, %sign3A_542 : i32
    %rem3A_544 = arith.remsi %reduce_min3A_197, %jit3A_527 : i32
    %ne3A_545 = arith.constant 0 : i32
    %ne3A_546 = arith.cmpi ne, %rem3A_544, %ne3A_545 : i32
    %and3A_547 = arith.andi %ne3A_543, %ne3A_546 : i1
    %sub3A_548 = arith.constant 1 : i32
    %sub3A_549 = arith.subi %div3A_528, %sub3A_548 : i32
    %select_n3A_550 = arith.select %and3A_547, %sub3A_549, %div3A_528 : i32
    %broadcast_in_dim3A_551 = vector.broadcast %select_n3A_550 : i32 to vector<8x1xi32>
    %select_n3A_552 = arith.select %eq3A_526, %broadcast_in_dim3A_551, %select_n3A_502 : vector<8x1xi1>, vector<8x1xi32>
    %eq3A_553 = arith.constant 2 : i32
    %eq3A_554 = vector.broadcast %eq3A_553 : i32 to vector<8x1xi32>
    %eq3A_555 = arith.cmpi eq, %iota3A_419, %eq3A_554 : vector<8x1xi32>
    %jit3A_556 = arith.constant 51289 : i32
    %eq3A_557 = arith.constant 0 : i32
    %eq3A_558 = arith.cmpi eq, %jit3A_556, %eq3A_557 : i32
    %jit3A_559 = arith.constant 1 : i32
    %select_n3A_560 = arith.select %eq3A_558, %jit3A_559, %jit3A_556 : i32
    %rem3A_561 = arith.remsi %reduce_min3A_197, %select_n3A_560 : i32
    %ne3A_562 = arith.constant 0 : i32
    %ne3A_563 = arith.cmpi ne, %rem3A_561, %ne3A_562 : i32
    %lt3A_564 = arith.constant 0 : i32
    %lt3A_565 = arith.cmpi slt, %rem3A_561, %lt3A_564 : i32
    %lt3A_566 = arith.constant 0 : i32
    %lt3A_567 = arith.cmpi slt, %select_n3A_560, %lt3A_566 : i32
    %ne3A_568 = arith.xori %lt3A_565, %lt3A_567 : i1
    %and3A_569 = arith.andi %ne3A_568, %ne3A_563 : i1
    %add3A_570 = arith.addi %rem3A_561, %select_n3A_560 : i32
    %select_n3A_571 = arith.select %and3A_569, %add3A_570, %rem3A_561 : i32
    %broadcast_in_dim3A_572 = vector.broadcast %select_n3A_571 : i32 to vector<8x1xi32>
    %select_n3A_573 = arith.select %eq3A_555, %broadcast_in_dim3A_572, %select_n3A_523 : vector<8x1xi1>, vector<8x1xi32>
    %eq3A_574 = arith.constant 3 : i32
    %eq3A_575 = vector.broadcast %eq3A_574 : i32 to vector<8x1xi32>
    %eq3A_576 = arith.cmpi eq, %iota3A_419, %eq3A_575 : vector<8x1xi32>
    %jit3A_577 = arith.constant 51289 : i32
    %div3A_578 = arith.divsi %reduce_min3A_227, %jit3A_577 : i32
    %sign3A_579 = arith.constant 0 : i32
    %sign3A_580 = arith.cmpi sgt, %reduce_min3A_227, %sign3A_579 : i32
    %sign3A_581 = arith.extui %sign3A_580 : i1 to i32
    %sign3A_582 = arith.constant 0 : i32
    %sign3A_583 = arith.cmpi slt, %reduce_min3A_227, %sign3A_582 : i32
    %sign3A_584 = arith.extui %sign3A_583 : i1 to i32
    %sign3A_585 = arith.subi %sign3A_581, %sign3A_584 : i32
    %sign3A_586 = arith.constant 0 : i32
    %sign3A_587 = arith.cmpi sgt, %jit3A_577, %sign3A_586 : i32
    %sign3A_588 = arith.extui %sign3A_587 : i1 to i32
    %sign3A_589 = arith.constant 0 : i32
    %sign3A_590 = arith.cmpi slt, %jit3A_577, %sign3A_589 : i32
    %sign3A_591 = arith.extui %sign3A_590 : i1 to i32
    %sign3A_592 = arith.subi %sign3A_588, %sign3A_591 : i32
    %ne3A_593 = arith.cmpi ne, %sign3A_585, %sign3A_592 : i32
    %rem3A_594 = arith.remsi %reduce_min3A_227, %jit3A_577 : i32
    %ne3A_595 = arith.constant 0 : i32
    %ne3A_596 = arith.cmpi ne, %rem3A_594, %ne3A_595 : i32
    %and3A_597 = arith.andi %ne3A_593, %ne3A_596 : i1
    %sub3A_598 = arith.constant 1 : i32
    %sub3A_599 = arith.subi %div3A_578, %sub3A_598 : i32
    %select_n3A_600 = arith.select %and3A_597, %sub3A_599, %div3A_578 : i32
    %broadcast_in_dim3A_601 = vector.broadcast %select_n3A_600 : i32 to vector<8x1xi32>
    %select_n3A_602 = arith.select %eq3A_576, %broadcast_in_dim3A_601, %select_n3A_552 : vector<8x1xi1>, vector<8x1xi32>
    %eq3A_603 = arith.constant 3 : i32
    %eq3A_604 = vector.broadcast %eq3A_603 : i32 to vector<8x1xi32>
    %eq3A_605 = arith.cmpi eq, %iota3A_419, %eq3A_604 : vector<8x1xi32>
    %jit3A_606 = arith.constant 51289 : i32
    %eq3A_607 = arith.constant 0 : i32
    %eq3A_608 = arith.cmpi eq, %jit3A_606, %eq3A_607 : i32
    %jit3A_609 = arith.constant 1 : i32
    %select_n3A_610 = arith.select %eq3A_608, %jit3A_609, %jit3A_606 : i32
    %rem3A_611 = arith.remsi %reduce_min3A_227, %select_n3A_610 : i32
    %ne3A_612 = arith.constant 0 : i32
    %ne3A_613 = arith.cmpi ne, %rem3A_611, %ne3A_612 : i32
    %lt3A_614 = arith.constant 0 : i32
    %lt3A_615 = arith.cmpi slt, %rem3A_611, %lt3A_614 : i32
    %lt3A_616 = arith.constant 0 : i32
    %lt3A_617 = arith.cmpi slt, %select_n3A_610, %lt3A_616 : i32
    %ne3A_618 = arith.xori %lt3A_615, %lt3A_617 : i1
    %and3A_619 = arith.andi %ne3A_618, %ne3A_613 : i1
    %add3A_620 = arith.addi %rem3A_611, %select_n3A_610 : i32
    %select_n3A_621 = arith.select %and3A_619, %add3A_620, %rem3A_611 : i32
    %broadcast_in_dim3A_622 = vector.broadcast %select_n3A_621 : i32 to vector<8x1xi32>
    %select_n3A_623 = arith.select %eq3A_605, %broadcast_in_dim3A_622, %select_n3A_573 : vector<8x1xi1>, vector<8x1xi32>
    %eq3A_624 = arith.constant 4 : i32
    %eq3A_625 = vector.broadcast %eq3A_624 : i32 to vector<8x1xi32>
    %eq3A_626 = arith.cmpi eq, %iota3A_419, %eq3A_625 : vector<8x1xi32>
    %jit3A_627 = arith.constant 51289 : i32
    %div3A_628 = arith.divsi %reduce_min3A_257, %jit3A_627 : i32
    %sign3A_629 = arith.constant 0 : i32
    %sign3A_630 = arith.cmpi sgt, %reduce_min3A_257, %sign3A_629 : i32
    %sign3A_631 = arith.extui %sign3A_630 : i1 to i32
    %sign3A_632 = arith.constant 0 : i32
    %sign3A_633 = arith.cmpi slt, %reduce_min3A_257, %sign3A_632 : i32
    %sign3A_634 = arith.extui %sign3A_633 : i1 to i32
    %sign3A_635 = arith.subi %sign3A_631, %sign3A_634 : i32
    %sign3A_636 = arith.constant 0 : i32
    %sign3A_637 = arith.cmpi sgt, %jit3A_627, %sign3A_636 : i32
    %sign3A_638 = arith.extui %sign3A_637 : i1 to i32
    %sign3A_639 = arith.constant 0 : i32
    %sign3A_640 = arith.cmpi slt, %jit3A_627, %sign3A_639 : i32
    %sign3A_641 = arith.extui %sign3A_640 : i1 to i32
    %sign3A_642 = arith.subi %sign3A_638, %sign3A_641 : i32
    %ne3A_643 = arith.cmpi ne, %sign3A_635, %sign3A_642 : i32
    %rem3A_644 = arith.remsi %reduce_min3A_257, %jit3A_627 : i32
    %ne3A_645 = arith.constant 0 : i32
    %ne3A_646 = arith.cmpi ne, %rem3A_644, %ne3A_645 : i32
    %and3A_647 = arith.andi %ne3A_643, %ne3A_646 : i1
    %sub3A_648 = arith.constant 1 : i32
    %sub3A_649 = arith.subi %div3A_628, %sub3A_648 : i32
    %select_n3A_650 = arith.select %and3A_647, %sub3A_649, %div3A_628 : i32
    %broadcast_in_dim3A_651 = vector.broadcast %select_n3A_650 : i32 to vector<8x1xi32>
    %select_n3A_652 = arith.select %eq3A_626, %broadcast_in_dim3A_651, %select_n3A_602 : vector<8x1xi1>, vector<8x1xi32>
    %eq3A_653 = arith.constant 4 : i32
    %eq3A_654 = vector.broadcast %eq3A_653 : i32 to vector<8x1xi32>
    %eq3A_655 = arith.cmpi eq, %iota3A_419, %eq3A_654 : vector<8x1xi32>
    %jit3A_656 = arith.constant 51289 : i32
    %eq3A_657 = arith.constant 0 : i32
    %eq3A_658 = arith.cmpi eq, %jit3A_656, %eq3A_657 : i32
    %jit3A_659 = arith.constant 1 : i32
    %select_n3A_660 = arith.select %eq3A_658, %jit3A_659, %jit3A_656 : i32
    %rem3A_661 = arith.remsi %reduce_min3A_257, %select_n3A_660 : i32
    %ne3A_662 = arith.constant 0 : i32
    %ne3A_663 = arith.cmpi ne, %rem3A_661, %ne3A_662 : i32
    %lt3A_664 = arith.constant 0 : i32
    %lt3A_665 = arith.cmpi slt, %rem3A_661, %lt3A_664 : i32
    %lt3A_666 = arith.constant 0 : i32
    %lt3A_667 = arith.cmpi slt, %select_n3A_660, %lt3A_666 : i32
    %ne3A_668 = arith.xori %lt3A_665, %lt3A_667 : i1
    %and3A_669 = arith.andi %ne3A_668, %ne3A_663 : i1
    %add3A_670 = arith.addi %rem3A_661, %select_n3A_660 : i32
    %select_n3A_671 = arith.select %and3A_669, %add3A_670, %rem3A_661 : i32
    %broadcast_in_dim3A_672 = vector.broadcast %select_n3A_671 : i32 to vector<8x1xi32>
    %select_n3A_673 = arith.select %eq3A_655, %broadcast_in_dim3A_672, %select_n3A_623 : vector<8x1xi1>, vector<8x1xi32>
    %eq3A_674 = arith.constant 5 : i32
    %eq3A_675 = vector.broadcast %eq3A_674 : i32 to vector<8x1xi32>
    %eq3A_676 = arith.cmpi eq, %iota3A_419, %eq3A_675 : vector<8x1xi32>
    %jit3A_677 = arith.constant 51289 : i32
    %div3A_678 = arith.divsi %reduce_min3A_287, %jit3A_677 : i32
    %sign3A_679 = arith.constant 0 : i32
    %sign3A_680 = arith.cmpi sgt, %reduce_min3A_287, %sign3A_679 : i32
    %sign3A_681 = arith.extui %sign3A_680 : i1 to i32
    %sign3A_682 = arith.constant 0 : i32
    %sign3A_683 = arith.cmpi slt, %reduce_min3A_287, %sign3A_682 : i32
    %sign3A_684 = arith.extui %sign3A_683 : i1 to i32
    %sign3A_685 = arith.subi %sign3A_681, %sign3A_684 : i32
    %sign3A_686 = arith.constant 0 : i32
    %sign3A_687 = arith.cmpi sgt, %jit3A_677, %sign3A_686 : i32
    %sign3A_688 = arith.extui %sign3A_687 : i1 to i32
    %sign3A_689 = arith.constant 0 : i32
    %sign3A_690 = arith.cmpi slt, %jit3A_677, %sign3A_689 : i32
    %sign3A_691 = arith.extui %sign3A_690 : i1 to i32
    %sign3A_692 = arith.subi %sign3A_688, %sign3A_691 : i32
    %ne3A_693 = arith.cmpi ne, %sign3A_685, %sign3A_692 : i32
    %rem3A_694 = arith.remsi %reduce_min3A_287, %jit3A_677 : i32
    %ne3A_695 = arith.constant 0 : i32
    %ne3A_696 = arith.cmpi ne, %rem3A_694, %ne3A_695 : i32
    %and3A_697 = arith.andi %ne3A_693, %ne3A_696 : i1
    %sub3A_698 = arith.constant 1 : i32
    %sub3A_699 = arith.subi %div3A_678, %sub3A_698 : i32
    %select_n3A_700 = arith.select %and3A_697, %sub3A_699, %div3A_678 : i32
    %broadcast_in_dim3A_701 = vector.broadcast %select_n3A_700 : i32 to vector<8x1xi32>
    %select_n3A_702 = arith.select %eq3A_676, %broadcast_in_dim3A_701, %select_n3A_652 : vector<8x1xi1>, vector<8x1xi32>
    %eq3A_703 = arith.constant 5 : i32
    %eq3A_704 = vector.broadcast %eq3A_703 : i32 to vector<8x1xi32>
    %eq3A_705 = arith.cmpi eq, %iota3A_419, %eq3A_704 : vector<8x1xi32>
    %jit3A_706 = arith.constant 51289 : i32
    %eq3A_707 = arith.constant 0 : i32
    %eq3A_708 = arith.cmpi eq, %jit3A_706, %eq3A_707 : i32
    %jit3A_709 = arith.constant 1 : i32
    %select_n3A_710 = arith.select %eq3A_708, %jit3A_709, %jit3A_706 : i32
    %rem3A_711 = arith.remsi %reduce_min3A_287, %select_n3A_710 : i32
    %ne3A_712 = arith.constant 0 : i32
    %ne3A_713 = arith.cmpi ne, %rem3A_711, %ne3A_712 : i32
    %lt3A_714 = arith.constant 0 : i32
    %lt3A_715 = arith.cmpi slt, %rem3A_711, %lt3A_714 : i32
    %lt3A_716 = arith.constant 0 : i32
    %lt3A_717 = arith.cmpi slt, %select_n3A_710, %lt3A_716 : i32
    %ne3A_718 = arith.xori %lt3A_715, %lt3A_717 : i1
    %and3A_719 = arith.andi %ne3A_718, %ne3A_713 : i1
    %add3A_720 = arith.addi %rem3A_711, %select_n3A_710 : i32
    %select_n3A_721 = arith.select %and3A_719, %add3A_720, %rem3A_711 : i32
    %broadcast_in_dim3A_722 = vector.broadcast %select_n3A_721 : i32 to vector<8x1xi32>
    %select_n3A_723 = arith.select %eq3A_705, %broadcast_in_dim3A_722, %select_n3A_673 : vector<8x1xi1>, vector<8x1xi32>
    %eq3A_724 = arith.constant 6 : i32
    %eq3A_725 = vector.broadcast %eq3A_724 : i32 to vector<8x1xi32>
    %eq3A_726 = arith.cmpi eq, %iota3A_419, %eq3A_725 : vector<8x1xi32>
    %jit3A_727 = arith.constant 51289 : i32
    %div3A_728 = arith.divsi %reduce_min3A_317, %jit3A_727 : i32
    %sign3A_729 = arith.constant 0 : i32
    %sign3A_730 = arith.cmpi sgt, %reduce_min3A_317, %sign3A_729 : i32
    %sign3A_731 = arith.extui %sign3A_730 : i1 to i32
    %sign3A_732 = arith.constant 0 : i32
    %sign3A_733 = arith.cmpi slt, %reduce_min3A_317, %sign3A_732 : i32
    %sign3A_734 = arith.extui %sign3A_733 : i1 to i32
    %sign3A_735 = arith.subi %sign3A_731, %sign3A_734 : i32
    %sign3A_736 = arith.constant 0 : i32
    %sign3A_737 = arith.cmpi sgt, %jit3A_727, %sign3A_736 : i32
    %sign3A_738 = arith.extui %sign3A_737 : i1 to i32
    %sign3A_739 = arith.constant 0 : i32
    %sign3A_740 = arith.cmpi slt, %jit3A_727, %sign3A_739 : i32
    %sign3A_741 = arith.extui %sign3A_740 : i1 to i32
    %sign3A_742 = arith.subi %sign3A_738, %sign3A_741 : i32
    %ne3A_743 = arith.cmpi ne, %sign3A_735, %sign3A_742 : i32
    %rem3A_744 = arith.remsi %reduce_min3A_317, %jit3A_727 : i32
    %ne3A_745 = arith.constant 0 : i32
    %ne3A_746 = arith.cmpi ne, %rem3A_744, %ne3A_745 : i32
    %and3A_747 = arith.andi %ne3A_743, %ne3A_746 : i1
    %sub3A_748 = arith.constant 1 : i32
    %sub3A_749 = arith.subi %div3A_728, %sub3A_748 : i32
    %select_n3A_750 = arith.select %and3A_747, %sub3A_749, %div3A_728 : i32
    %broadcast_in_dim3A_751 = vector.broadcast %select_n3A_750 : i32 to vector<8x1xi32>
    %select_n3A_752 = arith.select %eq3A_726, %broadcast_in_dim3A_751, %select_n3A_702 : vector<8x1xi1>, vector<8x1xi32>
    %eq3A_753 = arith.constant 6 : i32
    %eq3A_754 = vector.broadcast %eq3A_753 : i32 to vector<8x1xi32>
    %eq3A_755 = arith.cmpi eq, %iota3A_419, %eq3A_754 : vector<8x1xi32>
    %jit3A_756 = arith.constant 51289 : i32
    %eq3A_757 = arith.constant 0 : i32
    %eq3A_758 = arith.cmpi eq, %jit3A_756, %eq3A_757 : i32
    %jit3A_759 = arith.constant 1 : i32
    %select_n3A_760 = arith.select %eq3A_758, %jit3A_759, %jit3A_756 : i32
    %rem3A_761 = arith.remsi %reduce_min3A_317, %select_n3A_760 : i32
    %ne3A_762 = arith.constant 0 : i32
    %ne3A_763 = arith.cmpi ne, %rem3A_761, %ne3A_762 : i32
    %lt3A_764 = arith.constant 0 : i32
    %lt3A_765 = arith.cmpi slt, %rem3A_761, %lt3A_764 : i32
    %lt3A_766 = arith.constant 0 : i32
    %lt3A_767 = arith.cmpi slt, %select_n3A_760, %lt3A_766 : i32
    %ne3A_768 = arith.xori %lt3A_765, %lt3A_767 : i1
    %and3A_769 = arith.andi %ne3A_768, %ne3A_763 : i1
    %add3A_770 = arith.addi %rem3A_761, %select_n3A_760 : i32
    %select_n3A_771 = arith.select %and3A_769, %add3A_770, %rem3A_761 : i32
    %broadcast_in_dim3A_772 = vector.broadcast %select_n3A_771 : i32 to vector<8x1xi32>
    %select_n3A_773 = arith.select %eq3A_755, %broadcast_in_dim3A_772, %select_n3A_723 : vector<8x1xi1>, vector<8x1xi32>
    %eq3A_774 = arith.constant 7 : i32
    %eq3A_775 = vector.broadcast %eq3A_774 : i32 to vector<8x1xi32>
    %eq3A_776 = arith.cmpi eq, %iota3A_419, %eq3A_775 : vector<8x1xi32>
    %jit3A_777 = arith.constant 51289 : i32
    %div3A_778 = arith.divsi %reduce_min3A_347, %jit3A_777 : i32
    %sign3A_779 = arith.constant 0 : i32
    %sign3A_780 = arith.cmpi sgt, %reduce_min3A_347, %sign3A_779 : i32
    %sign3A_781 = arith.extui %sign3A_780 : i1 to i32
    %sign3A_782 = arith.constant 0 : i32
    %sign3A_783 = arith.cmpi slt, %reduce_min3A_347, %sign3A_782 : i32
    %sign3A_784 = arith.extui %sign3A_783 : i1 to i32
    %sign3A_785 = arith.subi %sign3A_781, %sign3A_784 : i32
    %sign3A_786 = arith.constant 0 : i32
    %sign3A_787 = arith.cmpi sgt, %jit3A_777, %sign3A_786 : i32
    %sign3A_788 = arith.extui %sign3A_787 : i1 to i32
    %sign3A_789 = arith.constant 0 : i32
    %sign3A_790 = arith.cmpi slt, %jit3A_777, %sign3A_789 : i32
    %sign3A_791 = arith.extui %sign3A_790 : i1 to i32
    %sign3A_792 = arith.subi %sign3A_788, %sign3A_791 : i32
    %ne3A_793 = arith.cmpi ne, %sign3A_785, %sign3A_792 : i32
    %rem3A_794 = arith.remsi %reduce_min3A_347, %jit3A_777 : i32
    %ne3A_795 = arith.constant 0 : i32
    %ne3A_796 = arith.cmpi ne, %rem3A_794, %ne3A_795 : i32
    %and3A_797 = arith.andi %ne3A_793, %ne3A_796 : i1
    %sub3A_798 = arith.constant 1 : i32
    %sub3A_799 = arith.subi %div3A_778, %sub3A_798 : i32
    %select_n3A_800 = arith.select %and3A_797, %sub3A_799, %div3A_778 : i32
    %broadcast_in_dim3A_801 = vector.broadcast %select_n3A_800 : i32 to vector<8x1xi32>
    %select_n3A_802 = arith.select %eq3A_776, %broadcast_in_dim3A_801, %select_n3A_752 : vector<8x1xi1>, vector<8x1xi32>
    %eq3A_803 = arith.constant 7 : i32
    %eq3A_804 = vector.broadcast %eq3A_803 : i32 to vector<8x1xi32>
    %eq3A_805 = arith.cmpi eq, %iota3A_419, %eq3A_804 : vector<8x1xi32>
    %jit3A_806 = arith.constant 51289 : i32
    %eq3A_807 = arith.constant 0 : i32
    %eq3A_808 = arith.cmpi eq, %jit3A_806, %eq3A_807 : i32
    %jit3A_809 = arith.constant 1 : i32
    %select_n3A_810 = arith.select %eq3A_808, %jit3A_809, %jit3A_806 : i32
    %rem3A_811 = arith.remsi %reduce_min3A_347, %select_n3A_810 : i32
    %ne3A_812 = arith.constant 0 : i32
    %ne3A_813 = arith.cmpi ne, %rem3A_811, %ne3A_812 : i32
    %lt3A_814 = arith.constant 0 : i32
    %lt3A_815 = arith.cmpi slt, %rem3A_811, %lt3A_814 : i32
    %lt3A_816 = arith.constant 0 : i32
    %lt3A_817 = arith.cmpi slt, %select_n3A_810, %lt3A_816 : i32
    %ne3A_818 = arith.xori %lt3A_815, %lt3A_817 : i1
    %and3A_819 = arith.andi %ne3A_818, %ne3A_813 : i1
    %add3A_820 = arith.addi %rem3A_811, %select_n3A_810 : i32
    %select_n3A_821 = arith.select %and3A_819, %add3A_820, %rem3A_811 : i32
    %broadcast_in_dim3A_822 = vector.broadcast %select_n3A_821 : i32 to vector<8x1xi32>
    %select_n3A_823 = arith.select %eq3A_805, %broadcast_in_dim3A_822, %select_n3A_773 : vector<8x1xi1>, vector<8x1xi32>
    %broadcast_in_dim3A_824 = arith.constant 0 : i32
    %broadcast_in_dim3A_825 = vector.broadcast %broadcast_in_dim3A_824 : i32 to vector<8x32xi32>
    %eq3A_826 = arith.constant 0 : i32
    %eq3A_827 = vector.broadcast %eq3A_826 : i32 to vector<8x1xi32>
    %eq3A_828 = arith.cmpi eq, %select_n3A_802, %eq3A_827 : vector<8x1xi32>
    %get3A_829 = arith.constant 0 : index
    %get3A_830 = arith.constant 0 : index
    %get3A_831 = vector.load %arg4[%get3A_829, %get3A_830] : memref<8x32xi32, #tpu.memory_space<vmem>>, vector<1x32xi32>
    %broadcast_in_dim3A_832 = vector.shape_cast %eq3A_828 : vector<8x1xi1> to vector<8x1xi1>
    %broadcast_in_dim3A_833 = vector.broadcast %broadcast_in_dim3A_832 : vector<8x1xi1> to vector<8x32xi1>
    %broadcast_in_dim3A_834 = vector.shape_cast %get3A_831 : vector<1x32xi32> to vector<1x32xi32>
    %broadcast_in_dim3A_835 = vector.broadcast %broadcast_in_dim3A_834 : vector<1x32xi32> to vector<8x32xi32>
    %select_n3A_836 = arith.select %broadcast_in_dim3A_833, %broadcast_in_dim3A_835, %broadcast_in_dim3A_825 : vector<8x32xi1>, vector<8x32xi32>
    %eq3A_837 = arith.constant 1 : i32
    %eq3A_838 = vector.broadcast %eq3A_837 : i32 to vector<8x1xi32>
    %eq3A_839 = arith.cmpi eq, %select_n3A_802, %eq3A_838 : vector<8x1xi32>
    %get3A_840 = arith.constant 1 : index
    %get3A_841 = arith.constant 0 : index
    %get3A_842 = vector.load %arg4[%get3A_840, %get3A_841] : memref<8x32xi32, #tpu.memory_space<vmem>>, vector<1x32xi32>
    %broadcast_in_dim3A_843 = vector.shape_cast %eq3A_839 : vector<8x1xi1> to vector<8x1xi1>
    %broadcast_in_dim3A_844 = vector.broadcast %broadcast_in_dim3A_843 : vector<8x1xi1> to vector<8x32xi1>
    %broadcast_in_dim3A_845 = vector.shape_cast %get3A_842 : vector<1x32xi32> to vector<1x32xi32>
    %broadcast_in_dim3A_846 = vector.broadcast %broadcast_in_dim3A_845 : vector<1x32xi32> to vector<8x32xi32>
    %select_n3A_847 = arith.select %broadcast_in_dim3A_844, %broadcast_in_dim3A_846, %select_n3A_836 : vector<8x32xi1>, vector<8x32xi32>
    %eq3A_848 = arith.constant 2 : i32
    %eq3A_849 = vector.broadcast %eq3A_848 : i32 to vector<8x1xi32>
    %eq3A_850 = arith.cmpi eq, %select_n3A_802, %eq3A_849 : vector<8x1xi32>
    %get3A_851 = arith.constant 2 : index
    %get3A_852 = arith.constant 0 : index
    %get3A_853 = vector.load %arg4[%get3A_851, %get3A_852] : memref<8x32xi32, #tpu.memory_space<vmem>>, vector<1x32xi32>
    %broadcast_in_dim3A_854 = vector.shape_cast %eq3A_850 : vector<8x1xi1> to vector<8x1xi1>
    %broadcast_in_dim3A_855 = vector.broadcast %broadcast_in_dim3A_854 : vector<8x1xi1> to vector<8x32xi1>
    %broadcast_in_dim3A_856 = vector.shape_cast %get3A_853 : vector<1x32xi32> to vector<1x32xi32>
    %broadcast_in_dim3A_857 = vector.broadcast %broadcast_in_dim3A_856 : vector<1x32xi32> to vector<8x32xi32>
    %select_n3A_858 = arith.select %broadcast_in_dim3A_855, %broadcast_in_dim3A_857, %select_n3A_847 : vector<8x32xi1>, vector<8x32xi32>
    %eq3A_859 = arith.constant 3 : i32
    %eq3A_860 = vector.broadcast %eq3A_859 : i32 to vector<8x1xi32>
    %eq3A_861 = arith.cmpi eq, %select_n3A_802, %eq3A_860 : vector<8x1xi32>
    %get3A_862 = arith.constant 3 : index
    %get3A_863 = arith.constant 0 : index
    %get3A_864 = vector.load %arg4[%get3A_862, %get3A_863] : memref<8x32xi32, #tpu.memory_space<vmem>>, vector<1x32xi32>
    %broadcast_in_dim3A_865 = vector.shape_cast %eq3A_861 : vector<8x1xi1> to vector<8x1xi1>
    %broadcast_in_dim3A_866 = vector.broadcast %broadcast_in_dim3A_865 : vector<8x1xi1> to vector<8x32xi1>
    %broadcast_in_dim3A_867 = vector.shape_cast %get3A_864 : vector<1x32xi32> to vector<1x32xi32>
    %broadcast_in_dim3A_868 = vector.broadcast %broadcast_in_dim3A_867 : vector<1x32xi32> to vector<8x32xi32>
    %select_n3A_869 = arith.select %broadcast_in_dim3A_866, %broadcast_in_dim3A_868, %select_n3A_858 : vector<8x32xi1>, vector<8x32xi32>
    %eq3A_870 = arith.constant 4 : i32
    %eq3A_871 = vector.broadcast %eq3A_870 : i32 to vector<8x1xi32>
    %eq3A_872 = arith.cmpi eq, %select_n3A_802, %eq3A_871 : vector<8x1xi32>
    %get3A_873 = arith.constant 4 : index
    %get3A_874 = arith.constant 0 : index
    %get3A_875 = vector.load %arg4[%get3A_873, %get3A_874] : memref<8x32xi32, #tpu.memory_space<vmem>>, vector<1x32xi32>
    %broadcast_in_dim3A_876 = vector.shape_cast %eq3A_872 : vector<8x1xi1> to vector<8x1xi1>
    %broadcast_in_dim3A_877 = vector.broadcast %broadcast_in_dim3A_876 : vector<8x1xi1> to vector<8x32xi1>
    %broadcast_in_dim3A_878 = vector.shape_cast %get3A_875 : vector<1x32xi32> to vector<1x32xi32>
    %broadcast_in_dim3A_879 = vector.broadcast %broadcast_in_dim3A_878 : vector<1x32xi32> to vector<8x32xi32>
    %select_n3A_880 = arith.select %broadcast_in_dim3A_877, %broadcast_in_dim3A_879, %select_n3A_869 : vector<8x32xi1>, vector<8x32xi32>
    %eq3A_881 = arith.constant 5 : i32
    %eq3A_882 = vector.broadcast %eq3A_881 : i32 to vector<8x1xi32>
    %eq3A_883 = arith.cmpi eq, %select_n3A_802, %eq3A_882 : vector<8x1xi32>
    %get3A_884 = arith.constant 5 : index
    %get3A_885 = arith.constant 0 : index
    %get3A_886 = vector.load %arg4[%get3A_884, %get3A_885] : memref<8x32xi32, #tpu.memory_space<vmem>>, vector<1x32xi32>
    %broadcast_in_dim3A_887 = vector.shape_cast %eq3A_883 : vector<8x1xi1> to vector<8x1xi1>
    %broadcast_in_dim3A_888 = vector.broadcast %broadcast_in_dim3A_887 : vector<8x1xi1> to vector<8x32xi1>
    %broadcast_in_dim3A_889 = vector.shape_cast %get3A_886 : vector<1x32xi32> to vector<1x32xi32>
    %broadcast_in_dim3A_890 = vector.broadcast %broadcast_in_dim3A_889 : vector<1x32xi32> to vector<8x32xi32>
    %select_n3A_891 = arith.select %broadcast_in_dim3A_888, %broadcast_in_dim3A_890, %select_n3A_880 : vector<8x32xi1>, vector<8x32xi32>
    %eq3A_892 = arith.constant 6 : i32
    %eq3A_893 = vector.broadcast %eq3A_892 : i32 to vector<8x1xi32>
    %eq3A_894 = arith.cmpi eq, %select_n3A_802, %eq3A_893 : vector<8x1xi32>
    %get3A_895 = arith.constant 6 : index
    %get3A_896 = arith.constant 0 : index
    %get3A_897 = vector.load %arg4[%get3A_895, %get3A_896] : memref<8x32xi32, #tpu.memory_space<vmem>>, vector<1x32xi32>
    %broadcast_in_dim3A_898 = vector.shape_cast %eq3A_894 : vector<8x1xi1> to vector<8x1xi1>
    %broadcast_in_dim3A_899 = vector.broadcast %broadcast_in_dim3A_898 : vector<8x1xi1> to vector<8x32xi1>
    %broadcast_in_dim3A_900 = vector.shape_cast %get3A_897 : vector<1x32xi32> to vector<1x32xi32>
    %broadcast_in_dim3A_901 = vector.broadcast %broadcast_in_dim3A_900 : vector<1x32xi32> to vector<8x32xi32>
    %select_n3A_902 = arith.select %broadcast_in_dim3A_899, %broadcast_in_dim3A_901, %select_n3A_891 : vector<8x32xi1>, vector<8x32xi32>
    %eq3A_903 = arith.constant 7 : i32
    %eq3A_904 = vector.broadcast %eq3A_903 : i32 to vector<8x1xi32>
    %eq3A_905 = arith.cmpi eq, %select_n3A_802, %eq3A_904 : vector<8x1xi32>
    %get3A_906 = arith.constant 7 : index
    %get3A_907 = arith.constant 0 : index
    %get3A_908 = vector.load %arg4[%get3A_906, %get3A_907] : memref<8x32xi32, #tpu.memory_space<vmem>>, vector<1x32xi32>
    %broadcast_in_dim3A_909 = vector.shape_cast %eq3A_905 : vector<8x1xi1> to vector<8x1xi1>
    %broadcast_in_dim3A_910 = vector.broadcast %broadcast_in_dim3A_909 : vector<8x1xi1> to vector<8x32xi1>
    %broadcast_in_dim3A_911 = vector.shape_cast %get3A_908 : vector<1x32xi32> to vector<1x32xi32>
    %broadcast_in_dim3A_912 = vector.broadcast %broadcast_in_dim3A_911 : vector<1x32xi32> to vector<8x32xi32>
    %select_n3A_913 = arith.select %broadcast_in_dim3A_910, %broadcast_in_dim3A_912, %select_n3A_902 : vector<8x32xi1>, vector<8x32xi32>
    %swap3A_914 = arith.constant 0 : index
    %swap3A_915 = arith.constant 0 : index
    %swap3A_916 = vector.load %arg5[%swap3A_914, %swap3A_915] : memref<8x33xi32, #tpu.memory_space<vmem>>, vector<8x32xi32>
    tpu.vector_store %arg5[%swap3A_914, %swap3A_915], %select_n3A_913 {strides = array<i32>} : memref<8x33xi32, #tpu.memory_space<vmem>>, vector<8x32xi32>,
    %swap3A_917 = arith.constant 0 : index
    %swap3A_918 = arith.constant 32 : index
    %swap3A_919 = vector.load %arg5[%swap3A_917, %swap3A_918] : memref<8x33xi32, #tpu.memory_space<vmem>>, vector<8x1xi32>
    tpu.vector_store %arg5[%swap3A_917, %swap3A_918], %select_n3A_823 {strides = array<i32>} : memref<8x33xi32, #tpu.memory_space<vmem>>, vector<8x1xi32>,
    return
  }
}

</mosaic_0001>

<sc_bundles>
// kernel: kernel.5.cloned.1.call-start
scs
__scs_entry_jumppad:
0x0: {  	(pc) =	sbr.rel $0x88, $3  }
0x1: {  	(tag) =	ssettag $0x0;
	lr =	simm.s32 $0x1  }
0x2: {  	[smem:$0x3F9E] =	sst lr;
	_ =	strace $0xD0000000  }
0x3: {  	_ = 	snop  }
0x4: {  	_ = 	snop  }
0x5: {  	_ = 	snop  }
0x6: {  	_ = 	snop  }
0x7: {  	_ = 	snop  }
__scs_overlays_trampoline_lowered:
0x8: {  	[smem:$0x3FAD] =	sst s0  }
0x9: {  	[smem:$0x3FAE] =	sst s1  }
0xa: {  	[smem:$0x3FAF] =	sst s2  }
0xb: {  	[smem:$0x3FB0] =	sst s3  }
0xc: {  	[smem:$0x3FB1] =	sst s4  }
0xd: {  	[smem:$0x3FB2] =	sst s5  }
0xe: {  	[smem:$0x3FB3] =	sst s6  }
0xf: {  	[smem:$0x3FB4] =	sst s7  }
0x10: {  	[smem:$0x3FB5] =	sst s8  }
0x11: {  	[smem:$0x3FB6] =	sst s9;
	s0 =	simm.s32 @!p0 $0x0  }
0x12: {  	s1 =	sld [smem:$0x3F9C];
	s0 =	simm.s32 @p0 $0x1  }
0x13: {  	[smem:$0x3FB7] =	sst s0;
	s0 =	simm.s32 @!p1 $0x0  }
0x14: {  	s2 =	sld [smem:$0x3F9B];
	s0 =	simm.s32 @p1 $0x1  }
0x15: {  	[smem:$0x3FB8] =	sst s0;
	s0 =	simm.s32 @!p2 $0x0  }
0x16: {  	s3 =	sld [smem:$0x3FDB];
	s0 =	simm.s32 @p2 $0x1  }
0x17: {  	s4 =	simm.s32 $0x1BF5;
	[smem:$0x3FBA] =	sst s0  }
0x18: {  	s0 =	sld [smem:$0x3F9D];
	_ =	swait.ge [sflag:s4], $0x0  }
0x19: {  	s7 =	sld [smem:$0x3F9E]  }
0x1a: {  	s8 =	sadd.s32 $0xFFFFE003, lr  }
0x1b: {  	s9 =	sadd.s32 $0xFFFFFEF7, lr;
	s5 =	simm.s32 $0xFFFFFFFF;
	p2 =	slt.u32 s8, $0xFFFFF086  }
0x1c: {  	p1 =	slt.u32 s9, $0xF7A;
	s5 =	simm.s32 @!p2 $0x0  }
0x1d: {  	s5 =	simm.s32 @p1 $0x1;
	p0 =	seq.s32 s7, s2  }
0x1e: {  	s7 =	smul.u32 @!p0 $0xF7A, s2;
	p2 =	seq.s32 @!p0 s5, $0x0  }
0x1f: {  	s9 =	smul.u32 $0xF7A, s1;
	s8 =	simm.s32 @!p0 $0x1BF5;
	p2 =	por !p2, p0  }
0x20: {  	[sflag:s8] =	ssyncset.s32 @!p0 $0xFFFFF086;
	s6 =	sadd.s32 @!p0 s3, s7;
	s7 =	simm.s32 @!p0 $0x108  }
0x21: {  	s3 =	sadd.s32 s3, s9;
	s6 =	sadd.s32 @!p0 $0x88, s6;
	s7 =	simm.s32 @p2 $0x1082  }
0x22: {  	[simem:s7], [sflag:s8] =	dma.local @!p0 [hbm:s6], $0xF7A  }
0x23: {  	s9 =	sor.u32 $0xD0000000, s2;
	s6 =	simm.s32 $0x108;
	_ =	swait.ge @!p0 [sflag:s8], $0x0  }
0x24: {  	s3 =	sadd.s32 $0x88, s3;
	s6 =	simm.s32 @!p1 $0x1082;
	[sflag:s4] =	ssyncset.s32 $0xFFFFF086  }
0x25: {  	[simem:s6], [sflag:s4] =	dma.local [hbm:s3], $0xF7A  }
0x26: {  	[smem:$0x3F9E] =	sst s1;
	(tag) =	ssettag s2;
	_ =	strace s9  }
0x27: {  	s1 =	sld [smem:$0x3FAE]  }
0x28: {  	s2 =	sld [smem:$0x3FAF]  }
0x29: {  	s4 =	sld [smem:$0x3FB1]  }
0x2a: {  	p0 =	seq.s32 s5, $0x0;
	s5 =	sld [smem:$0x3FB2]  }
0x2b: {  	s6 =	sld [smem:$0x3FB3]  }
0x2c: {  	s7 =	sld [smem:$0x3FB4]  }
0x2d: {  	s3 =	simm.s32 $0x108;
	s8 =	sld [smem:$0x3FB5]  }
0x2e: {  	s3 =	simm.s32 @!p0 $0x1082;
	s9 =	sld [smem:$0x3FB6]  }
0x2f: {  	lr =	sadd.s32 s0, s3;
	s0 =	sld [smem:$0x3FAD]  }
0x30: {  	s3 =	sld [smem:$0x3FB0]  }
0x31: {  	[smem:$0x3FB9] =	sst s10  }
0x32: {  	s10 =	sld [smem:$0x3FB7];
	_ =	sdelay $0x3  }
0x33: {  	p0 =	seq.s32 s10, $0x1;
	s10 =	sld [smem:$0x3FB9];
	_ =	sdelay $0x3  }
0x34: {  	[smem:$0x3FB9] =	sst s10  }
0x35: {  	s10 =	sld [smem:$0x3FB8];
	_ =	sdelay $0x3  }
0x36: {  	p1 =	seq.s32 s10, $0x1;
	s10 =	sld [smem:$0x3FB9];
	_ =	sdelay $0x3  }
0x37: {  	[smem:$0x3FB9] =	sst s10  }
0x38: {  	s10 =	sld [smem:$0x3FBA]  }
0x39: {  	_ = 	snop;
	(pc) =	sbr.ind lr, $3  }
0x3a: {  	_ = 	snop  }
0x3b: {  	_ = 	snop  }
0x3c: {  	p2 =	seq.s32 s10, $0x1;
	s10 =	sld [smem:$0x3FB9]  }
0x3d: {  	_ =	shalt  }
0x3e: {  	_ =	shalt  }
0x3f: {  	_ =	shalt  }
0x40: {  	_ =	shalt  }
0x41: {  	_ =	shalt  }
0x42: {  	_ =	shalt  }
0x43: {  	_ =	shalt  }
0x44: {  	_ =	shalt  }
0x45: {  	_ =	shalt  }
0x46: {  	_ =	shalt  }
0x47: {  	_ =	shalt  }
0x48: {  	_ =	shalt  }
0x49: {  	_ =	shalt  }
0x4a: {  	_ =	shalt  }
0x4b: {  	_ =	shalt  }
0x4c: {  	_ =	shalt  }
0x4d: {  	_ =	shalt  }
0x4e: {  	_ =	shalt  }
0x4f: {  	_ =	shalt  }
0x50: {  	_ =	shalt  }
0x51: {  	_ =	shalt  }
0x52: {  	_ =	shalt  }
0x53: {  	_ =	shalt  }
0x54: {  	_ =	shalt  }
0x55: {  	_ =	shalt  }
0x56: {  	_ =	shalt  }
0x57: {  	_ =	shalt  }
0x58: {  	_ =	shalt  }
0x59: {  	_ =	shalt  }
0x5a: {  	_ =	shalt  }
0x5b: {  	_ =	shalt  }
0x5c: {  	_ =	shalt  }
0x5d: {  	_ =	shalt  }
0x5e: {  	_ =	shalt  }
0x5f: {  	_ =	shalt  }
0x60: {  	_ =	shalt  }
0x61: {  	_ =	shalt  }
0x62: {  	_ =	shalt  }
0x63: {  	_ =	shalt  }
0x64: {  	_ =	shalt  }
0x65: {  	_ =	shalt  }
0x66: {  	_ =	shalt  }
0x67: {  	_ =	shalt  }
0x68: {  	_ =	shalt  }
0x69: {  	_ =	shalt  }
0x6a: {  	_ =	shalt  }
0x6b: {  	_ =	shalt  }
0x6c: {  	_ =	shalt  }
0x6d: {  	_ =	shalt  }
0x6e: {  	_ =	shalt  }
0x6f: {  	_ =	shalt  }
0x70: {  	_ =	shalt  }
0x71: {  	_ =	shalt  }
0x72: {  	_ =	shalt  }
0x73: {  	_ =	shalt  }
0x74: {  	_ =	shalt  }
0x75: {  	_ =	shalt  }
0x76: {  	_ =	shalt  }
0x77: {  	_ =	shalt  }
0x78: {  	_ =	shalt  }
0x79: {  	_ =	shalt  }
0x7a: {  	_ =	shalt  }
0x7b: {  	_ =	shalt  }
0x7c: {  	_ =	shalt  }
0x7d: {  	_ =	shalt  }
0x7e: {  	_ =	shalt  }
0x7f: {  	_ =	shalt  }
0x80: {  	_ =	shalt  }
0x81: {  	_ =	shalt  }
0x82: {  	_ =	shalt  }
0x83: {  	_ =	shalt  }
0x84: {  	_ =	shalt  }
0x85: {  	_ =	shalt  }
0x86: {  	_ =	shalt  }
0x87: {  	_ =	shalt  }
.Lfunc_end0:
.L_simem_size_0:
called_computation_lowered:
.L_overlay_start_0:
0x88: {  	s2 =	sld [smem:$0x3FD9]  }
0x89: {  	s3 =	sld [smem:$0x3FFE];
	_ =	sdelay $0x1  }
0x8a: {  	s1 =	srdreg.scid  }
0x8b: {  	s0 =	sand.u32 $0x1, s1  }
0x8c: {  	s16 =	sshll.u32 s0, $0xA;
	s2 =	sadd.s32 s3, s2  }
0x8d: {  	s2 =	sadd.s32 s2, s16  }
0x8e: {  	[smem:$0x3FC5] =	sst s2  }
0x8f: {  	_ = 	snop  }
0x90: {  	(tm) =	ssettm $0x1  }
0x91: {  	s17 =	sld [smem:$0x3FFB];
	_ =	sdelay $0x3  }
0x92: {  	_ =	strace s17  }
0x93: {  	s2 =	sld [smem:$0x3FFC];
	_ =	sdelay $0x3  }
0x94: {  	_ =	strace s2  }
0x95: {  	s2 =	sld [smem:$0x3FFD];
	_ =	sdelay $0x3  }
0x96: {  	_ =	strace s2  }
0x97: {  	_ =	strace $0x8FFFFFFF  }
0x98: {  	s18 =	sld [smem:$0x3FDB];
	_ =	sdelay $0x1  }
0x99: {  	s19 =	simm.s32 $_scs_section_size  }
0x9a: {  	s4 =	simm.s32 $_size__tile_overlayer_lowered;
	s5 =	simm.s32 $_tile_overlayer_lowered  }
0x9b: {  	s22 =	simm.s32 $0x1BFF;
	s21 =	sshll.u32 s5, $0x1;
	s2 =	sadd.s32 s19, s18  }
0x9c: {  	s6 =	simm.s32 $0x0;
	s20 =	sshll.u32 s4, $0x1;
	s4 =	sadd.s32 s21, s2  }
0x9d: {  	[timem:s6], [sflag:s22] =	dma.local [hbm:s4], s20  }
0x9e: {  	_ =	swait.ge [sflag:s22], s20  }
0x9f: {  	s3 =	ssub.s32 $0x0, s20;
	[sflag:s22] =	ssyncset.done $0x0  }
0xa0: {  	[sflag:s22] =	ssyncadd.s32 s3;
	_ =	sdelay $0x1  }
0xa1: {  	s23 =	simm.s32 $0x1B8B  }
0xa2: {  	_ =	swait.ge [sflag:s23], $0x1  }
0xa3: {  	[sflag:s23] =	ssyncset.done $0x0  }
0xa4: {  	s25 =	simm.s32 $0x1B8E;
	s24 =	sld [smem:$0x3FFE];
	[sflag:s23] =	ssyncadd.s32 $0xFFFFFFFF  }
0xa5: {  	s26 =	simm.s32 $execute0_lowered;
	[smem:$0x3FD2] =	sst s25  }
0xa6: {  	s4 =	sshll.u32 s26, $0x1;
	_ =	strace $0x80000046;
	[dreg:$0x1] =	wrdreg $0xFFFFFFFF  }
0xa7: {  	s28 =	simm.s32 $_size_execute0_lowered;
	s2 =	sadd.s32 s2, s4;
	[dreg:$0x0] =	wrdreg $0x0  }
0xa8: {  	s4 =	sshll.u32 s28, $0x1;
	[dreg:$0x2] =	wrdreg s2  }
0xa9: {  	[dreg:$0x3] =	wrdreg s4  }
0xaa: {  	[dreg:$0x4] =	wrdreg $0xC0  }
0xab: {  	_ =	task [dreg:s6], $0x5FFFF  }
0xac: {  	[dreg:$0x1] =	wrdreg $0xFFFFFFFF  }
0xad: {  	[dreg:$0x0] =	wrdreg $0x60  }
0xae: {  	[dreg:$0x2] =	wrdreg s24  }
0xaf: {  	[dreg:$0x3] =	wrdreg $0x9  }
0xb0: {  	_ =	task.clear_ibuf [dreg:s6], $0x4FFFF;
	_ =	strace $0x90000046  }
0xb1: {  	s29 =	simm.s32 $0x9;
	_ =	strace $0x80000048  }
0xb2: {  	_ =	swait.ge [sflag:s29], $0x1  }
0xb3: {  	[sflag:s29] =	ssyncadd.s32 $0xFFFFFFFF  }
0xb4: {  	_ =	strace $0x90000048  }
0xb5: {  	_ =	sfence  }
0xb6: {  	s30 =	sld [smem:$0x0];
	_ =	sdelay $0x2  }
0xb7: {  	s31 =	sshll.u32 s1, $0xD;
	s1 =	sshrl.u32 s1, $0x2  }
0xb8: {  	s3 =	sand.u32 $0x4000, s31;
	s1 =	sadd.s32 s1, s30  }
0xb9: {  	s0 =	sor.u32 s3, s0;
	s1 =	sshll.u32 s1, $0x11  }
0xba: {  	s0 =	sor.u32 s1, s0  }
0xbb: {  	s0 =	sadd.s32 $0x8F2B, s0  }
0xbc: {  	[sflag:s0] =	ssyncadd.remote.s32 $0x1  }
0xbd: {  	_ =	sfence.sel $0xFFFF  }
0xbe: {  	[dreg:$0x0] =	wrdreg $0xFFFFFFFF;
	(pc) =	sbr.abs _section_cstart, $3  }
0xbf: {  	[dreg:$0x1] =	wrdreg $0xFFFFFFFF  }
0xc0: {  	_ =	task.clear_ibuf [dreg:s6], $0x2FFFF;
	_ =	strace $0x9FFFFFFF  }
0xc1: {  	(tm) =	ssettm $0x7FFFFFFF  }
tec
execute0_lowered:
.L_overlay_start_1:
0x0: {  	(tag) =	ssettag $0x1  }
0x1: {  	s3 =	rddreg [dreg:$0x0]  }
0x2: {  	s0 =	rddreg [dreg:$0x1];
	s4 =	srdreg.scid  }
0x3: {  	s1 =	stileid.u32;
	s2 =	simm.s32 $0x0;
	s9 =	simm.s32 $0x1  }
0x4: {  	s10 =	simm.s32 $0x2;
	s11 =	simm.s32 $0x80;
	s12 =	simm.s32 $0x400  }
0x5: {  	s13 =	simm.s32 $0x3280;
	s14 =	simm.s32 $0x3;
	s15 =	simm.s32 $0x3380  }
0x6: {  	s16 =	simm.s32 $0x0;
	s4 =	sand.u32 $0x1, s4;
	s5 =	sshll.u32 s1, $0x1  }
0x7: {  	[smem:$0x7FF] =	sst s2;
	s7 =	sshll.u32 s1, $0x6;
	s5 =	sor.u32 s4, s5  }
0x8: {  	_ =	strace $0x80000047;
	s6 =	smul.u32 $0x3220, s5;
	s5 =	sshll.u32 s5, $0x4  }
0x9: {  	s7 =	sand.u32 $0x300, s7;
	s4 =	ssub.s32 $0x2, s4;
	s5 =	sand.u32 $0x70, s5  }
0xa: {  	s31 =	sshrl.u32 s4, $0x1;
	s6 =	sshrl.u32 s6, $0x3;
	s5 =	sor.u32 s7, s5  }
0xb: {  	s8 =	ssub.s32 s4, s31;
	s6 =	sadd.s32 s6, s3;
	s7 =	sadd.s32 s5, s3  }
0xc: {  	s3 =	sadd.s32 $0x1000, s6;
	s4 =	sadd.s32 $0x1190, s6;
	s5 =	sadd.s32 $0xDA00, s7  }
0xd: {  	v0 =	vlaneseq.u32;
	s6 =	sadd.s32 $0xDE00, s7;
	s7 =	smax.u32 s8, $0x1;
	s8 =	simm.s32 $0xC80  }
.LBB2_1:
0xe: {  	[tilespmem:s2], [sflag:$0x1] =	stream.linear.gather [hbm4b:s3+s2], $0xC80, $0x38;
	[tilespmem:$0x3480] =	vst v63  }
0xf: {  	_ = 	snop  }
0x10: {  	[tilespmem:s8], [sflag:$0x2] =	stream.linear.gather [hbm4b:s4+s2], $0x25A0, $0x38;
	[tilespmem:$0x3480] =	vst v63  }
0x11: {  	_ =	swait.ge [sflag:s9], $0xC80  }
0x12: {  	[sflag:s9] =	ssyncset.done $0x0  }
0x13: {  	s17 =	simm.s32 $0x10;
	[sflag:s9] =	ssyncadd.s32 $0xFFFFF380  }
0x14: {  	v3 =	vld [tilespmem:s17+$0xFFFFFFF0]  }
0x15: {  	v1 =	vimm.f32 $-1.000000020e+30;
	v2 =	vimm.s32 $0x40000000;
	v30 =	vimm.f32 $-1.000000020e+30;
	v8 =	vld [tilespmem:s17+$0x0]  }
0x16: {  	v31 =	vimm.f32 $-1.000000020e+30;
	v37 =	vimm.f32 $-1.000000020e+30;
	v29 =	vimm.s32 $0x40000000  }
0x17: {  	v32 =	vimm.s32 $0x40000000;
	v33 =	vimm.s32 $0x40000000;
	v34 =	vimm.s32 $0x40000000  }
0x18: {  	s18 =	simm.s32 $0x0;
	v35 =	vimm.f32 $-1.000000020e+30;
	v36 =	vimm.f32 $-1.000000020e+30;
	v38 =	vimm.s32 $0x40000000  }
0x19: {  	v39 =	vimm.f32 $-1.000000020e+30;
	v40 =	vimm.s32 $0x40000000;
	v4 =	vor.u32 s18, v0  }
0x1a: {  	v9 =	vor.u32 s17, v0;
	vm2 =	vgt.f32 v3, v1;
	vm0 =	vgt.f32 v8, v1  }
0x1b: {  	v6 =	vsel vm2, v1, v3;
	v11 =	vsel vm2, v4, v2;
	v23 =	vsel vm2, v3, v1  }
0x1c: {  	v5 =	vsel vm0, v1, v8;
	v7 =	vsel vm2, v2, v4;
	v12 =	vsel vm0, v2, v9  }
0x1d: {  	v14 =	vsel vm0, v8, v1;
	vm1 =	vgt.f32 v6, v1;
	vm3 =	vgt.f32 v5, v1  }
0x1e: {  	v10 =	vsel vm1, v1, v6;
	v24 =	vsel vm1, v6, v1;
	v26 =	vsel vm1, v2, v7  }
0x1f: {  	v6 =	vsel vm3, v12, v2;
	v27 =	vsel vm3, v1, v5;
	vm2 =	vgt.f32 v10, v1  }
0x20: {  	v12 =	vsel vm3, v2, v12;
	vm4 =	vgt.f32 v27, v1;
	v4 =	vsel vm2, v1, v10  }
0x21: {  	v3 =	vsel vm2, v2, v26;
	v25 =	vsel vm2, v10, v1;
	v10 =	vsel vm4, v1, v27  }
0x22: {  	v18 =	vsel vm4, v2, v12;
	vm5 =	vgt.f32 v4, v1;
	vm7 =	vgt.f32 v10, v1  }
0x23: {  	v13 =	vsel vm5, v1, v4;
	v28 =	vsel vm5, v2, v3;
	v41 =	vsel vm7, v1, v10  }
0x24: {  	v16 =	vsel vm7, v10, v1;
	v10 =	vsel vm7, v18, v2;
	vm9 =	vgt.f32 v13, v1  }
0x25: {  	v47 =	vsel vm7, v2, v18;
	vm6 =	vgt.f32 v41, v1;
	v8 =	vsel vm9, v1, v13  }
0x26: {  	v17 =	vsel vm9, v2, v28;
	v44 =	vsel vm6, v1, v41;
	vm10 =	vgt.f32 v8, v1  }
0x27: {  	v45 =	vsel vm6, v2, v47;
	vm8 =	vgt.f32 v44, v1;
	v15 =	vsel vm10, v1, v8  }
0x28: {  	v20 =	vsel vm10, v2, v17;
	v46 =	vsel vm8, v1, v44;
	v42 =	vsel vm8, v2, v45  }
0x29: {  	v17 =	vsel vm10, v17, v2;
	vm11 =	vgt.f32 v15, v1;
	vm7 =	vgt.f32 v46, v1  }
0x2a: {  	v19 =	vsel vm11, v1, v15;
	v22 =	vsel vm11, v2, v20;
	v18 =	vsel vm11, v15, v1  }
0x2b: {  	v20 =	vsel vm11, v20, v2;
	v43 =	vsel vm7, v1, v46;
	v15 =	vsel vm10, v8, v1  }
0x2c: {  	v48 =	vsel vm7, v2, v42;
	v8 =	vimm.s32 $0x40000000;
	vm12 =	vgt.f32 v19, v1  }
0x2d: {  	v21 =	vsel vm12, v19, v1;
	v19 =	vsel vm4, v12, v2;
	v22 =	vsel vm12, v22, v2  }
0x2e: {  	s18 =	simm.s32 $0x30;
	s17 =	simm.s32 $0x30;
	v12 =	vsel vm9, v13, v1;
	v13 =	vsel vm9, v28, v2;
	vm9 =	vgt.f32 v43, v1  }
.LBB2_2:
0x2f: {  	v28 =	vld [tilespmem:s18+$0xFFFFFFF0];
	p0 =	sne.s32 s17, $0xC70;
	v1 =	vsel vm5, v4, v1;
	v2 =	vsel vm6, v47, v2;
	v30 =	vsel vm8, v44, v30;
	v4 =	vmovc v11;
	s19 =	smov.u32 s17;
	s17 =	sadd.s32 $0x20, s17  }
0x30: {  	v8 =	vsel vm5, v3, v8;
	v31 =	vsel vm6, v41, v31;
	v37 =	vsel vm7, v46, v37;
	v41 =	vmovc v6;
	v44 =	vld [tilespmem:s18+$0x0]  }
0x31: {  	v29 =	vsel vm1, v7, v29;
	v32 =	vsel vm8, v45, v32;
	v33 =	vsel vm9, v48, v33;
	v45 =	vmovc v10  }
0x32: {  	v34 =	vsel vm2, v26, v34;
	v35 =	vsel vm3, v5, v35;
	v36 =	vsel vm9, v43, v36  }
0x33: {  	v38 =	vsel vm0, v9, v38;
	v39 =	vsel vm4, v27, v39;
	v40 =	vsel vm7, v42, v40;
	s20 =	sadd.s32 $0xFFFFFFF0, s19  }
0x34: {  	v9 =	vor.u32 s19, v0;
	v3 =	vor.u32 s20, v0;
	vm2 =	vgt.f32 v28, v23  }
0x35: {  	v11 =	vsel vm2, v3, v11;
	v26 =	vsel vm2, v23, v28;
	vm0 =	vgt.f32 v44, v14  }
0x36: {  	v23 =	vsel vm2, v28, v23;
	vm1 =	vgt.f32 v26, v24;
	v5 =	vsel vm0, v14, v44  }
0x37: {  	v7 =	vsel vm2, v4, v3;
	v28 =	vsel vm0, v38, v9;
	v27 =	vsel vm1, v24, v26  }
0x38: {  	v24 =	vsel vm1, v26, v24;
	v26 =	vsel vm1, v29, v7;
	vm2 =	vgt.f32 v27, v25  }
0x39: {  	vm3 =	vgt.f32 v5, v35;
	v4 =	vsel vm2, v25, v27;
	v3 =	vsel vm2, v34, v26  }
0x3a: {  	v6 =	vsel vm3, v28, v6;
	v25 =	vsel vm2, v27, v25;
	vm5 =	vgt.f32 v4, v1  }
0x3b: {  	v27 =	vsel vm3, v35, v5;
	v49 =	vsel vm5, v1, v4;
	v50 =	vsel vm5, v8, v3  }
0x3c: {  	v14 =	vsel vm0, v44, v14;
	vm4 =	vgt.f32 v27, v39;
	vm9 =	vgt.f32 v49, v12  }
0x3d: {  	v42 =	vsel vm4, v39, v27;
	v48 =	vsel vm9, v12, v49;
	v51 =	vsel vm9, v13, v50  }
0x3e: {  	v28 =	vsel vm3, v41, v28;
	vm7 =	vgt.f32 v42, v16;
	vm10 =	vgt.f32 v48, v15  }
0x3f: {  	v41 =	vsel vm7, v16, v42;
	v43 =	vsel vm10, v15, v48;
	v52 =	vsel vm10, v17, v51  }
0x40: {  	v46 =	vsel vm4, v19, v28;
	vm6 =	vgt.f32 v41, v31;
	vm11 =	vgt.f32 v43, v18  }
0x41: {  	v16 =	vsel vm7, v42, v16;
	v47 =	vsel vm11, v18, v43;
	v53 =	vsel vm11, v20, v52  }
0x42: {  	v10 =	vsel vm7, v46, v10;
	v44 =	vsel vm6, v31, v41;
	vm12 =	vgt.f32 v47, v21  }
0x43: {  	v19 =	vsel vm4, v28, v19;
	vm8 =	vgt.f32 v44, v30;
	v21 =	vsel vm12, v47, v21  }
.Ltmp0:
0x44: {  	v22 =	vsel vm12, v53, v22;
	v47 =	vsel vm7, v45, v46;
	v46 =	vsel vm8, v30, v44;
	(pc) =	sbr.rel @p0 .LBB2_2-.Ltmp0, $4  }
0x45: {  	v18 =	vsel vm11, v43, v18;
	v45 =	vsel vm6, v2, v47;
	vm7 =	vgt.f32 v46, v37  }
0x46: {  	v20 =	vsel vm11, v52, v20;
	v42 =	vsel vm8, v32, v45;
	v43 =	vsel vm7, v37, v46  }
0x47: {  	v15 =	vsel vm10, v48, v15;
	v17 =	vsel vm10, v51, v17;
	v48 =	vsel vm7, v40, v42  }
0x48: {  	s18 =	sadd.s32 $0x20, s18;
	v12 =	vsel vm9, v49, v12;
	v13 =	vsel vm9, v50, v13;
	vm9 =	vgt.f32 v43, v36  }
0x49: {  	_ =	swait.ge [sflag:s10], $0x25A0  }
0x4a: {  	[sflag:s10] =	ssyncset.done $0x0  }
0x4b: {  	s17 =	simm.s32 $0xC90;
	[sflag:s10] =	ssyncadd.s32 $0xFFFFDA60  }
0x4c: {  	v28 =	vsel vm5, v4, v1;
	v4 =	vsel vm6, v47, v2;
	v2 =	vsel vm8, v44, v30;
	v53 =	vld [tilespmem:s17+$0xFFFFFFF0]  }
0x4d: {  	v30 =	vsel vm5, v3, v8;
	v8 =	vsel vm6, v41, v31;
	v3 =	vsel vm7, v46, v37;
	v54 =	vld [tilespmem:s17+$0x0]  }
0x4e: {  	v31 =	vsel vm1, v7, v29;
	v7 =	vsel vm8, v45, v32;
	v1 =	vsel vm9, v48, v33  }
0x4f: {  	v32 =	vsel vm2, v26, v34;
	v26 =	vsel vm3, v5, v35;
	v5 =	vsel vm9, v43, v36  }
0x50: {  	v29 =	vsel vm0, v9, v38;
	v27 =	vsel vm4, v27, v39;
	v9 =	vsel vm7, v42, v40;
	s18 =	simm.s32 $0xC80  }
0x51: {  	v55 =	vor.u32 s18, v0;
	v33 =	vor.u32 s17, v0;
	vm1 =	vgt.f32 v53, v23  }
0x52: {  	vm0 =	vgt.f32 v54, v14;
	v34 =	vsel vm1, v55, v11;
	v56 =	vsel vm1, v23, v53  }
0x53: {  	v35 =	vsel vm1, v53, v23;
	v23 =	vsel vm0, v14, v54;
	v37 =	vsel vm1, v11, v55  }
0x54: {  	v57 =	vsel vm0, v29, v33;
	v14 =	vsel vm0, v54, v14;
	vm2 =	vgt.f32 v56, v24  }
0x55: {  	vm1 =	vgt.f32 v23, v26;
	v11 =	vsel vm2, v24, v56;
	v24 =	vsel vm2, v56, v24  }
0x56: {  	v38 =	vsel vm2, v31, v37;
	v36 =	vsel vm1, v26, v23;
	vm3 =	vgt.f32 v11, v25  }
0x57: {  	v61 =	vsel vm1, v6, v57;
	vm4 =	vgt.f32 v36, v27;
	v40 =	vsel vm3, v25, v11  }
0x58: {  	v39 =	vsel vm3, v32, v38;
	v25 =	vsel vm3, v11, v25;
	v11 =	vsel vm1, v57, v6  }
0x59: {  	v60 =	vsel vm4, v27, v36;
	v63 =	vsel vm4, v19, v61;
	vm5 =	vgt.f32 v40, v28  }
0x5a: {  	v19 =	vsel vm4, v61, v19;
	vm7 =	vgt.f32 v60, v16;
	v58 =	vsel vm5, v28, v40  }
0x5b: {  	v49 =	vsel vm5, v30, v39;
	v41 =	vsel vm7, v16, v60;
	v16 =	vsel vm7, v60, v16  }
0x5c: {  	v6 =	vsel vm7, v63, v10;
	v47 =	vsel vm7, v10, v63;
	vm9 =	vgt.f32 v58, v12  }
0x5d: {  	vm6 =	vgt.f32 v41, v8;
	v59 =	vsel vm9, v12, v58;
	v50 =	vsel vm9, v13, v49  }
0x5e: {  	v42 =	vsel vm6, v8, v41;
	v45 =	vsel vm6, v4, v47;
	v12 =	vsel vm9, v58, v12  }
0x5f: {  	v13 =	vsel vm9, v49, v13;
	vm10 =	vgt.f32 v59, v15;
	vm8 =	vgt.f32 v42, v2  }
0x60: {  	v62 =	vsel vm10, v15, v59;
	v51 =	vsel vm10, v17, v50;
	v43 =	vsel vm8, v2, v42  }
0x61: {  	v15 =	vsel vm10, v59, v15;
	v17 =	vsel vm10, v50, v17;
	vm11 =	vgt.f32 v62, v18  }
0x62: {  	vm7 =	vgt.f32 v43, v3;
	v52 =	vsel vm11, v18, v62;
	v53 =	vsel vm11, v20, v51  }
0x63: {  	v10 =	vsel vm11, v62, v18;
	v18 =	vsel vm11, v51, v20;
	v20 =	vsel vm8, v7, v45  }
0x64: {  	v44 =	vsel vm7, v3, v43;
	vm12 =	vgt.f32 v52, v21;
	v46 =	vsel vm7, v9, v20  }
0x65: {  	s18 =	simm.s32 $0xCB0;
	s17 =	simm.s32 $0xCB0;
	vm9 =	vgt.f32 v44, v5;
	v21 =	vsel vm12, v52, v21;
	v22 =	vsel vm12, v53, v22  }
.LBB2_4:
0x66: {  	v48 =	vld [tilespmem:s18+$0xFFFFFFF0];
	p0 =	sne.s32 s17, $0x3210;
	v28 =	vsel vm5, v40, v28;
	v4 =	vsel vm6, v47, v4;
	v2 =	vsel vm8, v42, v2;
	v40 =	vmovc v34;
	s19 =	smov.u32 s17;
	s17 =	sadd.s32 $0x20, s17  }
0x67: {  	v30 =	vsel vm5, v39, v30;
	v8 =	vsel vm6, v41, v8;
	v3 =	vsel vm7, v43, v3;
	v41 =	vmovc v11;
	v42 =	vld [tilespmem:s18+$0x0]  }
0x68: {  	v31 =	vsel vm2, v37, v31;
	v7 =	vsel vm8, v45, v7;
	v1 =	vsel vm9, v46, v1;
	v43 =	vmovc v6  }
0x69: {  	v32 =	vsel vm3, v38, v32;
	v26 =	vsel vm1, v23, v26;
	v5 =	vsel vm9, v44, v5  }
0x6a: {  	v29 =	vsel vm0, v33, v29;
	v27 =	vsel vm4, v36, v27;
	v9 =	vsel vm7, v20, v9;
	s20 =	sadd.s32 $0xFFFFFFF0, s19  }
0x6b: {  	v33 =	vor.u32 s19, v0;
	v20 =	vor.u32 s20, v0;
	vm1 =	vgt.f32 v48, v35  }
0x6c: {  	v34 =	vsel vm1, v20, v34;
	v36 =	vsel vm1, v35, v48;
	vm0 =	vgt.f32 v42, v14  }
0x6d: {  	v35 =	vsel vm1, v48, v35;
	vm2 =	vgt.f32 v36, v24;
	v23 =	vsel vm0, v14, v42  }
0x6e: {  	v37 =	vsel vm1, v40, v20;
	v44 =	vsel vm0, v29, v33;
	v20 =	vsel vm2, v24, v36  }
0x6f: {  	v24 =	vsel vm2, v36, v24;
	v38 =	vsel vm2, v31, v37;
	vm3 =	vgt.f32 v20, v25  }
0x70: {  	vm1 =	vgt.f32 v23, v26;
	v40 =	vsel vm3, v25, v20;
	v39 =	vsel vm3, v32, v38  }
0x71: {  	v11 =	vsel vm1, v44, v11;
	v25 =	vsel vm3, v20, v25;
	vm5 =	vgt.f32 v40, v28  }
0x72: {  	v36 =	vsel vm1, v26, v23;
	v48 =	vsel vm5, v28, v40;
	v49 =	vsel vm5, v30, v39  }
0x73: {  	v14 =	vsel vm0, v42, v14;
	vm4 =	vgt.f32 v36, v27;
	vm9 =	vgt.f32 v48, v12  }
0x74: {  	v20 =	vsel vm4, v27, v36;
	v46 =	vsel vm9, v12, v48;
	v50 =	vsel vm9, v13, v49  }
0x75: {  	v44 =	vsel vm1, v41, v44;
	vm7 =	vgt.f32 v20, v16;
	vm10 =	vgt.f32 v46, v15  }
0x76: {  	v41 =	vsel vm7, v16, v20;
	v45 =	vsel vm10, v15, v46;
	v51 =	vsel vm10, v17, v50  }
0x77: {  	v47 =	vsel vm4, v19, v44;
	vm6 =	vgt.f32 v41, v8;
	vm11 =	vgt.f32 v45, v10  }
0x78: {  	v16 =	vsel vm7, v20, v16;
	v52 =	vsel vm11, v10, v45;
	v53 =	vsel vm11, v18, v51  }
0x79: {  	v6 =	vsel vm7, v47, v6;
	v42 =	vsel vm6, v8, v41;
	vm12 =	vgt.f32 v52, v21  }
0x7a: {  	v19 =	vsel vm4, v44, v19;
	vm8 =	vgt.f32 v42, v2;
	v21 =	vsel vm12, v52, v21  }
.Ltmp1:
0x7b: {  	v47 =	vsel vm7, v43, v47;
	v43 =	vsel vm8, v2, v42;
	v22 =	vsel vm12, v53, v22;
	(pc) =	sbr.rel @p0 .LBB2_4-.Ltmp1, $4  }
0x7c: {  	v10 =	vsel vm11, v45, v10;
	v45 =	vsel vm6, v4, v47;
	vm7 =	vgt.f32 v43, v3  }
0x7d: {  	v18 =	vsel vm11, v51, v18;
	v20 =	vsel vm8, v7, v45;
	v44 =	vsel vm7, v3, v43  }
0x7e: {  	v15 =	vsel vm10, v46, v15;
	v17 =	vsel vm10, v50, v17;
	v46 =	vsel vm7, v9, v20  }
0x7f: {  	s18 =	sadd.s32 $0x20, s18;
	v12 =	vsel vm9, v48, v12;
	v13 =	vsel vm9, v49, v13;
	vm9 =	vgt.f32 v44, v5  }
0x80: {  	[tilespmem:$0x3280] =	vst v35  }
0x81: {  	[tilespmem:$0x3380] =	vst v34  }
0x82: {  	[tilespmem:$0x3290] =	vst v24  }
0x83: {  	[tilespmem:$0x32A0] =	vst v25  }
0x84: {  	[tilespmem:$0x32C0] =	vst v12  }
0x85: {  	[tilespmem:$0x33C0] =	vst v13  }
0x86: {  	[tilespmem:$0x32D0] =	vst v15  }
0x87: {  	[tilespmem:$0x33D0] =	vst v17  }
0x88: {  	[tilespmem:$0x32E0] =	vst v10  }
0x89: {  	[tilespmem:$0x33E0] =	vst v18  }
0x8a: {  	[tilespmem:$0x32F0] =	vst v21  }
0x8b: {  	[tilespmem:$0x33F0] =	vst v22  }
0x8c: {  	[tilespmem:$0x3300] =	vst v14  }
0x8d: {  	[tilespmem:$0x3410] =	vst v11  }
0x8e: {  	[tilespmem:$0x3420] =	vst v19  }
0x8f: {  	[tilespmem:$0x3330] =	vst v16  }
0x90: {  	v31 =	vsel vm2, v37, v31;
	[tilespmem:$0x3430] =	vst v6  }
0x91: {  	v57 =	vsel vm3, v38, v32;
	[tilespmem:$0x3390] =	vst v31  }
0x92: {  	v58 =	vsel vm5, v40, v28;
	[tilespmem:$0x33A0] =	vst v57  }
0x93: {  	v59 =	vsel vm5, v39, v30;
	[tilespmem:$0x32B0] =	vst v58  }
0x94: {  	v60 =	vsel vm0, v33, v29;
	[tilespmem:$0x33B0] =	vst v59  }
0x95: {  	v61 =	vsel vm1, v23, v26;
	[tilespmem:$0x3400] =	vst v60  }
0x96: {  	v62 =	vsel vm4, v36, v27;
	[tilespmem:$0x3310] =	vst v61  }
0x97: {  	v8 =	vsel vm6, v41, v8;
	[tilespmem:$0x3320] =	vst v62  }
0x98: {  	v4 =	vsel vm6, v47, v4;
	[tilespmem:$0x3340] =	vst v8  }
0x99: {  	v2 =	vsel vm8, v42, v2;
	[tilespmem:$0x3440] =	vst v4  }
0x9a: {  	v63 =	vsel vm8, v45, v7;
	[tilespmem:$0x3350] =	vst v2  }
0x9b: {  	v1 =	vsel vm9, v46, v1;
	[tilespmem:$0x3450] =	vst v63  }
0x9c: {  	v2 =	vsel vm7, v43, v3;
	[tilespmem:$0x3470] =	vst v1  }
0x9d: {  	v3 =	vsel vm7, v20, v9;
	[tilespmem:$0x3360] =	vst v2  }
0x9e: {  	v2 =	vsel vm9, v44, v5;
	[tilespmem:$0x3460] =	vst v3  }
0x9f: {  	[tilespmem:$0x3370] =	vst v2  }
0xa0: {  	[hbm4b:s5+s11] =	stream.strided.scatter [tilespmem:s13], [sflag:$0x3], $0x100, s12, s11, $0x38;
	[tilespmem:$0x3480] =	vst v63  }
0xa1: {  	s16 =	sadd.s32 $0x1, s16;
	_ =	swait.ge [sflag:s14], $0x100  }
0xa2: {  	p0 =	sne.s32 s16, s7;
	[sflag:s14] =	ssyncset.done $0x0  }
.Ltmp2:
0xa3: {  	[sflag:s14] =	ssyncadd.s32 $0xFFFFFF00;
	(pc) =	sbr.rel @p0 .LBB2_1-.Ltmp2, $4  }
0xa4: {  	[hbm4b:s6+s11] =	stream.strided.scatter [tilespmem:s15], [sflag:$0x3], $0x100, s12, s11, $0x38;
	[tilespmem:$0x3480] =	vst v63  }
0xa5: {  	_ =	swait.ge [sflag:s14], $0x100  }
0xa6: {  	[sflag:s14] =	ssyncset.done $0x0  }
0xa7: {  	[sflag:s14] =	ssyncadd.s32 $0xFFFFFF00  }
0xa8: {  	_ =	sfence.sel $0x180000  }
0xa9: {  	[bflag:$0x0] =	sbarrier.arrive $0xFFFF  }
0xaa: {  	p0 =	sne.s32 s1, $0x0;
	_ =	strace $0x90000047  }
0xab: {  	s0 =	sadd.s32 @!p0 $0x100000, s0;
	[bflag:$0x2] =	sbarrier.arrive $0xFFFF  }
0xac: {  	[sflag:s0] =	ssyncadd.tile.s32 @!p0 $0x1;
	_ =	shalt  }
.Lfunc_end2:
_tile_overlayer_lowered:
.L_overlay_start_2:
0xad: {  	(tag) =	ssettag $0x2  }
0xae: {  	s0 =	rddreg [dreg:$0x0];
	s2 =	stileid.u32  }
0xaf: {  	s1 =	rddreg [dreg:$0x1];
	p0 =	sne.s32 s2, $0x0  }
0xb0: {  	s3 =	rddreg [dreg:$0x2];
	[bflag:$0x3] =	sbarrier.arrive $0xFFFF;
	s2 =	simm.s32 @!p0 $0x1C03  }
0xb1: {  	[timem:s3], [sflag:s2] =	dma.local @!p0 [hbm:s0], s1  }
0xb2: {  	s0 =	simm.s32 @!p0 $0x3  }
0xb3: {  	_ =	swait.ge @!p0 [sflag:s0], s1  }
0xb4: {  	s1 =	ssub.s32 @!p0 $0x0, s1;
	[sflag:s0] =	ssyncset.done @!p0 $0x0  }
0xb5: {  	[sflag:s0] =	ssyncadd.s32 @!p0 s1  }
0xb6: {  	[bflag:$0x3] =	sbarrier.arrive $0xFFFF  }
0xb7: {  	_ =	shalt  }

</sc_bundles>
